<compile_context>
chip_gen: v7x
topology: tpu7x:2x2x1
jax: 0.10.2.dev20260603
libtpu: 0.0.44.dev20260713+nightly
codegen_flags: <defaults>
</compile_context>

<pallas_src>
import jax
import jax.numpy as jnp
from jax import lax
from jax.experimental import pallas as pl
from jax.experimental.pallas import tpu as pltpu
from jax.experimental.pallas import tpu_sc as plsc

N = 10000
E = 320000
F = 128
H = 128
C = 47
CP = 64

NC = 2
NS = 16
NW = NC * NS
B = 128
CPW = 80
NCHUNK = NW * CPW
EP = NCHUNK * B
NPAD = 10240
RPT = NPAD // NS
DW = 128
ZR = 64

BN = 1000


_sc_cache = {}


def _mesh():
    return plsc.VectorSubcoreMesh(core_axis_name="c", subcore_axis_name="s",
                                  num_cores=NC, num_subcores=NS)


def _zero_slab(zb, width):
    zero16 = jnp.zeros((16,), jnp.float32)

    @pl.loop(0, zb.shape[0])
    def _(r):
        @pl.loop(0, width, step=16)
        def _(cc):
            zb[r, pl.ds(cc, 16)] = zero16


def _zero_acc(zb, acc, sid):
    @pl.loop(0, RPT, step=ZR)
    def _(r0):
        pltpu.sync_copy(zb, acc.at[pl.ds(sid * RPT + r0, ZR)])


def _sc_agg_builder(width):
    if ("agg", width) in _sc_cache:
        return _sc_cache[("agg", width)]

    scratch = [
        pltpu.VMEM((2, B), jnp.int32),
        pltpu.VMEM((B, width), jnp.float32),
        pltpu.VMEM((ZR, width), jnp.float32),
        pltpu.VMEM_SHARED((NPAD, width), jnp.float32),
        pltpu.SemaphoreType.DMA,
    ]

    def body(y_hbm, eidx_hbm, agg_out, idxb, rowsb, zb, acc, sem):
        cid = lax.axis_index("c")
        sid = lax.axis_index("s")
        wid = sid * NC + cid

        _zero_slab(zb, width)
        _zero_acc(zb, acc, sid)
        plsc.subcore_barrier()

        base = wid * CPW

        @pl.loop(0, CPW)
        def _(i):
            pltpu.sync_copy(eidx_hbm.at[base + i], idxb)
            pltpu.async_copy(y_hbm.at[idxb.at[0]], rowsb, sem).wait()
            pltpu.sync_copy(rowsb, acc.at[idxb.at[1]], add=True)

        plsc.subcore_barrier()

        @pl.loop(0, RPT, step=ZR)
        def _(r0):
            row = sid * RPT + r0
            pltpu.sync_copy(acc.at[pl.ds(row, ZR)],
                            agg_out.at[cid, pl.ds(row, ZR)])

    fn = pl.kernel(body,
                   out_type=jax.ShapeDtypeStruct((NC, NPAD, width),
                                                 jnp.float32),
                   mesh=_mesh(), scratch_types=scratch)
    _sc_cache[("agg", width)] = fn
    return fn


def _sc_deg_builder():
    if "deg" in _sc_cache:
        return _sc_cache["deg"]

    scratch = [
        pltpu.VMEM((2, B), jnp.int32),
        pltpu.VMEM((B, H), jnp.float32),
        pltpu.VMEM((ZR, H), jnp.float32),
        pltpu.VMEM_SHARED((NPAD, H), jnp.float32),
    ]

    def body(eidx_hbm, deg_out, idxb, onesb, zb, acc):
        cid = lax.axis_index("c")
        sid = lax.axis_index("s")
        wid = sid * NC + cid

        _zero_slab(zb, H)
        one16 = jnp.ones((16,), jnp.float32)

        @pl.loop(0, B)
        def _(r):
            @pl.loop(0, H, step=16)
            def _(cc):
                onesb[r, pl.ds(cc, 16)] = one16

        _zero_acc(zb, acc, sid)
        plsc.subcore_barrier()

        base = wid * CPW

        @pl.loop(0, CPW)
        def _(i):
            pltpu.sync_copy(eidx_hbm.at[base + i], idxb)
            pltpu.sync_copy(onesb, acc.at[idxb.at[1]], add=True)

        plsc.subcore_barrier()

        @pl.loop(0, RPT, step=ZR)
        def _(r0):
            row = sid * RPT + r0
            pltpu.sync_copy(acc.at[pl.ds(row, ZR), pl.ds(0, DW)],
                            deg_out.at[cid, pl.ds(row, ZR)])

    fn = pl.kernel(body,
                   out_type=jax.ShapeDtypeStruct((NC, NPAD, DW),
                                                 jnp.float32),
                   mesh=_mesh(), scratch_types=scratch)
    _sc_cache["deg"] = fn
    return fn


def _sc_deg(eidx):
    return _sc_deg_builder()(eidx)


def _sc_agg(y, eidx):
    return _sc_agg_builder(H)(y, eidx)


def _tc_in_body(x_ref, w_ref, yl_ref, yr_ref):
    y = jnp.dot(x_ref[...], w_ref[...], preferred_element_type=jnp.float32)
    yl_ref[...] = y[:, :H]
    yr_ref[...] = y[:, H:]


def _tc_in(x, wcat):
    return pl.pallas_call(
        _tc_in_body,
        grid=(N // BN,),
        in_specs=[pl.BlockSpec((BN, F), lambda i: (i, 0)),
                  pl.BlockSpec((F, 2 * H), lambda i: (0, 0))],
        out_specs=[pl.BlockSpec((BN, H), lambda i: (i, 0)),
                   pl.BlockSpec((BN, H), lambda i: (i, 0))],
        out_shape=[jax.ShapeDtypeStruct((N, H), jnp.float32),
                   jax.ShapeDtypeStruct((N, H), jnp.float32)],
    )(x, wcat)


def _mean_from_parts(aggp_ref, degp_ref):
    agg = aggp_ref[0] + aggp_ref[1]
    deg = degp_ref[0][:, 0:1] + degp_ref[1][:, 0:1]
    return agg / jnp.maximum(deg, 1.0)


def _tc_mid_builder(wout, ylw):
    def body(aggp_ref, degp_ref, yr_ref, b_ref, w_ref, yl_ref, yr2_ref):
        mean = _mean_from_parts(aggp_ref, degp_ref)
        h = jnp.maximum(mean + yr_ref[...] + b_ref[...], 0.0)
        y = jnp.dot(h, w_ref[...], preferred_element_type=jnp.float32)
        yl = y[:, :wout]
        if ylw > wout:
            yl = jnp.concatenate(
                [yl, jnp.zeros((yl.shape[0], ylw - wout), jnp.float32)],
                axis=1)
        yl_ref[...] = yl
        yr2_ref[...] = y[:, wout:]

    def run(aggp, degp, yr, b, wcat):
        return pl.pallas_call(
            body,
            grid=(N // BN,),
            in_specs=[pl.BlockSpec((NC, BN, H), lambda i: (0, i, 0)),
                      pl.BlockSpec((NC, BN, DW), lambda i: (0, i, 0)),
                      pl.BlockSpec((BN, H), lambda i: (i, 0)),
                      pl.BlockSpec((1, H), lambda i: (0, 0)),
                      pl.BlockSpec((H, 2 * wout), lambda i: (0, 0))],
            out_specs=[pl.BlockSpec((BN, ylw), lambda i: (i, 0)),
                       pl.BlockSpec((BN, wout), lambda i: (i, 0))],
            out_shape=[jax.ShapeDtypeStruct((N, ylw), jnp.float32),
                       jax.ShapeDtypeStruct((N, wout), jnp.float32)],
        )(aggp, degp, yr, b, wcat)

    return run


_tc_mid_h = _tc_mid_builder(H, H)
_tc_mid_cp = _tc_mid_builder(CP, H)


def _tc_fin_body(aggp_ref, degp_ref, yr_ref, b_ref, o_ref):
    mean = _mean_from_parts(aggp_ref, degp_ref)
    logits = mean[:, :CP] + yr_ref[...] + b_ref[...]
    col = lax.broadcasted_iota(jnp.int32, logits.shape, 1)
    neg = jnp.where(col < C, logits, -3e38)
    m = jnp.max(neg, axis=1, keepdims=True)
    lse = jnp.log(jnp.sum(jnp.exp(neg - m), axis=1, keepdims=True)) + m
    o_ref[...] = logits - lse


def _tc_fin(aggp, degp, yr, b):
    return pl.pallas_call(
        _tc_fin_body,
        grid=(N // BN,),
        in_specs=[pl.BlockSpec((NC, BN, H), lambda i: (0, i, 0)),
                  pl.BlockSpec((NC, BN, DW), lambda i: (0, i, 0)),
                  pl.BlockSpec((BN, CP), lambda i: (i, 0)),
                  pl.BlockSpec((1, CP), lambda i: (0, 0))],
        out_specs=pl.BlockSpec((BN, CP), lambda i: (i, 0)),
        out_shape=jax.ShapeDtypeStruct((N, CP), jnp.float32),
    )(aggp, degp, yr, b)


def kernel(x, adj_t, W1l, W1r, b1, W2l, W2r, b2, W3l, W3r, b3):
    src = adj_t[0].astype(jnp.int32)
    dst = adj_t[1].astype(jnp.int32)
    srcp = jnp.concatenate([src, jnp.zeros((EP - E,), jnp.int32)])
    dstp = jnp.concatenate([dst, jnp.full((EP - E,), N, jnp.int32)])
    eidx = jnp.stack([srcp.reshape(NCHUNK, B), dstp.reshape(NCHUNK, B)],
                     axis=1)

    wc1 = jnp.concatenate([W1l.T, W1r.T], axis=1)
    wc2 = jnp.concatenate([W2l.T, W2r.T], axis=1)
    w3lp = jnp.pad(W3l, ((0, CP - C), (0, 0)))
    w3rp = jnp.pad(W3r, ((0, CP - C), (0, 0)))
    wc3 = jnp.concatenate([w3lp.T, w3rp.T], axis=1)
    b1r = b1.reshape(1, H)
    b2r = b2.reshape(1, H)
    b3r = jnp.pad(b3, (0, CP - C)).reshape(1, CP)

    degp = _sc_deg(eidx)
    yl1, yr1 = _tc_in(x, wc1)
    agg1 = _sc_agg(yl1, eidx)
    yl2, yr2 = _tc_mid_h(agg1, degp, yr1, b1r, wc2)
    agg2 = _sc_agg(yl2, eidx)
    yl3, yr3 = _tc_mid_cp(agg2, degp, yr2, b2r, wc3)
    agg3 = _sc_agg(yl3, eidx)
    out = _tc_fin(agg3, degp, yr3, b3r)
    return out[:, :C]

# --- scband reference (transcript-rebuilt; emitter-appended) ---
"""Pipeline reference for scband-sage-products-5153960755956 (READ-ONLY COPY).

The authoritative reference and input builder live on the scoring server;
editing this copy changes nothing except your own understanding.
"""

import jax, jax.numpy as jnp
import numpy as np

N = 10000
E = 320000
F_IN = 128
H = 128
C = 47


def setup_inputs(seed: int = 0) -> dict:
    key = jax.random.key(seed)
    ks = jax.random.split(key, 12)
    x = jax.random.normal(ks[0], (N, F_IN), dtype=jnp.float32)
    adj_t = jax.random.randint(ks[1], (2, E), 0, N)
    s = 0.05
    W1l = jax.random.normal(ks[2], (H, F_IN), dtype=jnp.float32) * s
    W1r = jax.random.normal(ks[3], (H, F_IN), dtype=jnp.float32) * s
    b1 = jnp.zeros((H,), dtype=jnp.float32)
    W2l = jax.random.normal(ks[4], (H, H), dtype=jnp.float32) * s
    W2r = jax.random.normal(ks[5], (H, H), dtype=jnp.float32) * s
    b2 = jnp.zeros((H,), dtype=jnp.float32)
    W3l = jax.random.normal(ks[6], (C, H), dtype=jnp.float32) * s
    W3r = jax.random.normal(ks[7], (C, H), dtype=jnp.float32) * s
    b3 = jnp.zeros((C,), dtype=jnp.float32)
    return {"x": x, "adj_t": adj_t, "W1l": W1l, "W1r": W1r, "b1": b1,
            "W2l": W2l, "W2r": W2r, "b2": b2, "W3l": W3l, "W3r": W3r, "b3": b3}


def sage_conv(x, src, dst, Wl, Wr, b):
    # PyG SAGEConv (mean aggregation): out = lin_l(mean_{j in N(i)} x_j) + lin_r(x_i)
    msg = x[src]                                   # gather (SparseCore)
    agg = jax.ops.segment_sum(msg, dst, num_segments=x.shape[0])   # scatter-add
    deg = jax.ops.segment_sum(jnp.ones((src.shape[0],), dtype=x.dtype), dst,
                              num_segments=x.shape[0])
    mean = agg / jnp.maximum(deg, 1.0)[:, None]
    return mean @ Wl.T + b + x @ Wr.T


def reference(x, adj_t, W1l, W1r, b1, W2l, W2r, b2, W3l, W3r, b3):
    src = adj_t[0]
    dst = adj_t[1]
    h = sage_conv(x, src, dst, W1l, W1r, b1)
    h = jax.nn.relu(h)
    # dropout inactive in eval mode (training=False)
    h = sage_conv(h, src, dst, W2l, W2r, b2)
    h = jax.nn.relu(h)
    logits = sage_conv(h, src, dst, W3l, W3r, b3)
    return jax.nn.log_softmax(logits, axis=-1)

if __name__ == "__main__":
    import jax
    _d = setup_inputs()
    print(jax.jit(kernel)(*tuple(_d.values())))

</pallas_src>

<mosaic_0001>
#map = affine_map<(d0, d1) -> (0, 0, 0)>
module attributes {stable_mosaic.version = 14 : i64} {
  func.func @body(%arg0: i32, %arg1: i32, %arg2: memref<2560x2x128xi32, #tpu.memory_space<hbm>>, %arg3: memref<2x10240x128xf32, #tpu.memory_space<hbm>>, %arg4: memref<2x128xi32, #tpu.memory_space<vmem>>, %arg5: memref<128x128xf32, #tpu.memory_space<vmem>>, %arg6: memref<64x128xf32, #tpu.memory_space<vmem>>, %arg7: memref<10240x128xf32, #tpu.memory_space<vmem_shared>>) attributes {dimension_semantics = [#tpu.dimension_semantics<core_parallel>, #tpu.dimension_semantics<subcore_parallel>], iteration_bounds = array<i64: 2, 16>, scalar_prefetch = 0 : i64, scratch_operands = 4 : i64, tpu.core_type = #tpu.core_type<sc_vector_subcore>, window_params = [{transform_indices = #map}, {transform_indices = #map}]} {
    %mul3A = arith.constant 2 : i32
    %mul3A_0 = arith.muli %arg1, %mul3A : i32
    %add3A = arith.addi %mul3A_0, %arg0 : i32
    %broadcast_in_dim3A = arith.constant 0.000000e+00 : f32
    %broadcast_in_dim3A_1 = vector.broadcast %broadcast_in_dim3A : f32 to vector<16xf32>
    %scan3A = arith.constant 0 : i32
    %scan3A_2 = arith.constant 64 : i32
    %scan3A_3 = arith.addi %scan3A, %scan3A_2 : i32
    %scan3A_4 = arith.constant 1 : i32
    scf.for %scan3A_31 = %scan3A to %scan3A_3 step %scan3A_4  : i32 {
      %mul3A_32 = arith.constant 1 : i32
      %mul3A_33 = arith.muli %scan3A_31, %mul3A_32 : i32
      %add3A_34 = arith.constant 0 : i32
      %add3A_35 = arith.addi %add3A_34, %mul3A_33 : i32
      %scan3A_36 = arith.constant 0 : i32
      %scan3A_37 = arith.constant 8 : i32
      %scan3A_38 = arith.addi %scan3A_36, %scan3A_37 : i32
      %scan3A_39 = arith.constant 1 : i32
      scf.for %scan3A_41 = %scan3A_36 to %scan3A_38 step %scan3A_39  : i32 {
        %mul3A_42 = arith.constant 16 : i32
        %mul3A_43 = arith.muli %scan3A_41, %mul3A_42 : i32
        %add3A_44 = arith.constant 0 : i32
        %add3A_45 = arith.addi %add3A_44, %mul3A_43 : i32
        %swap3A = arith.index_cast %add3A_35 : i32 to index
        %swap3A_46 = arith.index_cast %add3A_45 : i32 to index
        %swap3A_47 = tpu.vector_load %arg6[%swap3A, %swap3A_46] {strides = array<i32>} : memref<64x128xf32, #tpu.memory_space<vmem>>, vector<1x16xf32>,
        %swap3A_48 = vector.shape_cast %swap3A_47 : vector<1x16xf32> to vector<16xf32>
        %swap3A_49 = vector.shape_cast %broadcast_in_dim3A_1 : vector<16xf32> to vector<1x16xf32>
        tpu.vector_store %arg6[%swap3A, %swap3A_46], %swap3A_49 {strides = array<i32>} : memref<64x128xf32, #tpu.memory_space<vmem>>, vector<1x16xf32>,
      }
      %scan3A_40 = arith.constant 8 : i32
    }
    %scan3A_5 = arith.constant 64 : i32
    %broadcast_in_dim3A_6 = arith.constant 1.000000e+00 : f32
    %broadcast_in_dim3A_7 = vector.broadcast %broadcast_in_dim3A_6 : f32 to vector<16xf32>
    %scan3A_8 = arith.constant 0 : i32
    %scan3A_9 = arith.constant 128 : i32
    %scan3A_10 = arith.addi %scan3A_8, %scan3A_9 : i32
    %scan3A_11 = arith.constant 1 : i32
    scf.for %scan3A_31 = %scan3A_8 to %scan3A_10 step %scan3A_11  : i32 {
      %mul3A_32 = arith.constant 1 : i32
      %mul3A_33 = arith.muli %scan3A_31, %mul3A_32 : i32
      %add3A_34 = arith.constant 0 : i32
      %add3A_35 = arith.addi %add3A_34, %mul3A_33 : i32
      %scan3A_36 = arith.constant 0 : i32
      %scan3A_37 = arith.constant 8 : i32
      %scan3A_38 = arith.addi %scan3A_36, %scan3A_37 : i32
      %scan3A_39 = arith.constant 1 : i32
      scf.for %scan3A_41 = %scan3A_36 to %scan3A_38 step %scan3A_39  : i32 {
        %mul3A_42 = arith.constant 16 : i32
        %mul3A_43 = arith.muli %scan3A_41, %mul3A_42 : i32
        %add3A_44 = arith.constant 0 : i32
        %add3A_45 = arith.addi %add3A_44, %mul3A_43 : i32
        %swap3A = arith.index_cast %add3A_35 : i32 to index
        %swap3A_46 = arith.index_cast %add3A_45 : i32 to index
        %swap3A_47 = tpu.vector_load %arg5[%swap3A, %swap3A_46] {strides = array<i32>} : memref<128x128xf32, #tpu.memory_space<vmem>>, vector<1x16xf32>,
        %swap3A_48 = vector.shape_cast %swap3A_47 : vector<1x16xf32> to vector<16xf32>
        %swap3A_49 = vector.shape_cast %broadcast_in_dim3A_7 : vector<16xf32> to vector<1x16xf32>
        tpu.vector_store %arg5[%swap3A, %swap3A_46], %swap3A_49 {strides = array<i32>} : memref<128x128xf32, #tpu.memory_space<vmem>>, vector<1x16xf32>,
      }
      %scan3A_40 = arith.constant 8 : i32
    }
    %scan3A_12 = arith.constant 128 : i32
    %scan3A_13 = arith.constant 0 : i32
    %scan3A_14 = arith.constant 10 : i32
    %scan3A_15 = arith.addi %scan3A_13, %scan3A_14 : i32
    %scan3A_16 = arith.constant 1 : i32
    scf.for %scan3A_31 = %scan3A_13 to %scan3A_15 step %scan3A_16  : i32 {
      %mul3A_32 = arith.constant 64 : i32
      %mul3A_33 = arith.muli %scan3A_31, %mul3A_32 : i32
      %add3A_34 = arith.constant 0 : i32
      %add3A_35 = arith.addi %add3A_34, %mul3A_33 : i32
      %mul3A_36 = arith.constant 640 : i32
      %mul3A_37 = arith.muli %arg1, %mul3A_36 : i32
      %add3A_38 = arith.addi %mul3A_37, %add3A_35 : i32
      "tpu.region"() ({
        %run_scoped3A = tpu.sem_alloc : memref<!tpu.dma_semaphore, #tpu.memory_space<semaphore_mem>>
        %dma_start3A = arith.constant 0 : i32
        %dma_start3A_39 = tpu.memref_slice %arg7[%add3A_38, %dma_start3A] : memref<10240x128xf32, #tpu.memory_space<vmem_shared>> -> memref<64x128xf32, #tpu.memory_space<vmem_shared>>
        %dma_start3A_40 = arith.constant 0 : i32
        %dma_start3A_41 = tpu.memref_slice %arg7[%add3A_38, %dma_start3A_40] : memref<10240x128xf32, #tpu.memory_space<vmem_shared>> -> memref<64x128xf32, #tpu.memory_space<vmem_shared>>
        tpu.enqueue_dma source(%arg6 : memref<64x128xf32, #tpu.memory_space<vmem>>) target(%dma_start3A_41 : memref<64x128xf32, #tpu.memory_space<vmem_shared>>) target_semaphore(%run_scoped3A : memref<!tpu.dma_semaphore, #tpu.memory_space<semaphore_mem>>)
        %dma_wait3A = arith.constant 0 : i32
        %dma_wait3A_42 = tpu.memref_slice %arg7[%add3A_38, %dma_wait3A] : memref<10240x128xf32, #tpu.memory_space<vmem_shared>> -> memref<64x128xf32, #tpu.memory_space<vmem_shared>>
        %dma_wait3A_43 = arith.constant 0 : i32
        %dma_wait3A_44 = tpu.memref_slice %arg7[%add3A_38, %dma_wait3A_43] : memref<10240x128xf32, #tpu.memory_space<vmem_shared>> -> memref<64x128xf32, #tpu.memory_space<vmem_shared>>
        tpu.wait_dma2 semaphore(%run_scoped3A : memref<!tpu.dma_semaphore, #tpu.memory_space<semaphore_mem>>) src(%arg6 : memref<64x128xf32, #tpu.memory_space<vmem>>) dst(%dma_wait3A_44 : memref<64x128xf32, #tpu.memory_space<vmem_shared>>)
        tpu.yield
      }) : () -> ()
    }
    %scan3A_17 = arith.constant 10 : i32
    %barrier3A = arith.constant 0 : index
    tpu.barrier barrier_id(%barrier3A)
    %mul3A_18 = arith.constant 80 : i32
    %mul3A_19 = arith.muli %add3A, %mul3A_18 : i32
    %scan3A_20 = arith.constant 0 : i32
    %scan3A_21 = arith.constant 80 : i32
    %scan3A_22 = arith.addi %scan3A_20, %scan3A_21 : i32
    %scan3A_23 = arith.constant 1 : i32
    scf.for %scan3A_31 = %scan3A_20 to %scan3A_22 step %scan3A_23  : i32 {
      %mul3A_32 = arith.constant 1 : i32
      %mul3A_33 = arith.muli %scan3A_31, %mul3A_32 : i32
      %add3A_34 = arith.constant 0 : i32
      %add3A_35 = arith.addi %add3A_34, %mul3A_33 : i32
      %add3A_36 = arith.addi %mul3A_19, %add3A_35 : i32
      "tpu.region"() ({
        %run_scoped3A_37 = tpu.sem_alloc : memref<!tpu.dma_semaphore, #tpu.memory_space<semaphore_mem>>
        %dma_start3A = arith.constant 0 : i32
        %dma_start3A_38 = arith.constant 0 : i32
        %dma_start3A_39 = tpu.memref_slice %arg2[%add3A_36, %dma_start3A, %dma_start3A_38] : memref<2560x2x128xi32, #tpu.memory_space<hbm>> -> memref<1x2x128xi32, #tpu.memory_space<hbm>>
        %dma_start3A_40 = tpu.memref_squeeze %dma_start3A_39 : memref<1x2x128xi32, #tpu.memory_space<hbm>> -> memref<2x128xi32, #tpu.memory_space<hbm>>
        %dma_start3A_41 = arith.constant 0 : i32
        %dma_start3A_42 = arith.constant 0 : i32
        %dma_start3A_43 = tpu.memref_slice %arg2[%add3A_36, %dma_start3A_41, %dma_start3A_42] : memref<2560x2x128xi32, #tpu.memory_space<hbm>> -> memref<1x2x128xi32, #tpu.memory_space<hbm>>
        %dma_start3A_44 = tpu.memref_squeeze %dma_start3A_43 : memref<1x2x128xi32, #tpu.memory_space<hbm>> -> memref<2x128xi32, #tpu.memory_space<hbm>>
        tpu.enqueue_dma source(%dma_start3A_44 : memref<2x128xi32, #tpu.memory_space<hbm>>) target(%arg4 : memref<2x128xi32, #tpu.memory_space<vmem>>) target_semaphore(%run_scoped3A_37 : memref<!tpu.dma_semaphore, #tpu.memory_space<semaphore_mem>>)
        %dma_wait3A = arith.constant 0 : i32
        %dma_wait3A_45 = arith.constant 0 : i32
        %dma_wait3A_46 = tpu.memref_slice %arg2[%add3A_36, %dma_wait3A, %dma_wait3A_45] : memref<2560x2x128xi32, #tpu.memory_space<hbm>> -> memref<1x2x128xi32, #tpu.memory_space<hbm>>
        %dma_wait3A_47 = tpu.memref_squeeze %dma_wait3A_46 : memref<1x2x128xi32, #tpu.memory_space<hbm>> -> memref<2x128xi32, #tpu.memory_space<hbm>>
        %dma_wait3A_48 = arith.constant 0 : i32
        %dma_wait3A_49 = arith.constant 0 : i32
        %dma_wait3A_50 = tpu.memref_slice %arg2[%add3A_36, %dma_wait3A_48, %dma_wait3A_49] : memref<2560x2x128xi32, #tpu.memory_space<hbm>> -> memref<1x2x128xi32, #tpu.memory_space<hbm>>
        %dma_wait3A_51 = tpu.memref_squeeze %dma_wait3A_50 : memref<1x2x128xi32, #tpu.memory_space<hbm>> -> memref<2x128xi32, #tpu.memory_space<hbm>>
        tpu.wait_dma2 semaphore(%run_scoped3A_37 : memref<!tpu.dma_semaphore, #tpu.memory_space<semaphore_mem>>) src(%dma_wait3A_51 : memref<2x128xi32, #tpu.memory_space<hbm>>) dst(%arg4 : memref<2x128xi32, #tpu.memory_space<vmem>>)
        tpu.yield
      }) : () -> ()
      %run_scoped3A = arith.constant 1 : i32
      "tpu.region"() ({
        %run_scoped3A_37 = tpu.sem_alloc : memref<!tpu.dma_semaphore, #tpu.memory_space<semaphore_mem>>
        %dma_start3A = arith.constant 0 : i32
        %dma_start3A_38 = tpu.memref_slice %arg4[%run_scoped3A, %dma_start3A] : memref<2x128xi32, #tpu.memory_space<vmem>> -> memref<1x128xi32, #tpu.memory_space<vmem>>
        %dma_start3A_39 = tpu.memref_squeeze %dma_start3A_38 : memref<1x128xi32, #tpu.memory_space<vmem>> -> memref<128xi32, #tpu.memory_space<vmem>>
        %dma_start3A_40 = arith.constant 0 : i32
        %dma_start3A_41 = arith.constant 0 : i32
        %dma_start3A_42 = tpu.memref_slice %arg7[%dma_start3A_40, %dma_start3A_41] : memref<10240x128xf32, #tpu.memory_space<vmem_shared>> -> memref<10240x128xf32, #tpu.memory_space<vmem_shared>>
        tpu.enqueue_indirect_dma source(%arg5 : memref<128x128xf32, #tpu.memory_space<vmem>>) target(%dma_start3A_42 : memref<10240x128xf32, #tpu.memory_space<vmem_shared>>) offsets(%dma_start3A_39 : memref<128xi32, #tpu.memory_space<vmem>>) semaphore(%run_scoped3A_37 : memref<!tpu.dma_semaphore, #tpu.memory_space<semaphore_mem>>) {add = true}
        %dma_wait3A = arith.constant 0 : i32
        %dma_wait3A_43 = tpu.memref_slice %arg4[%run_scoped3A, %dma_wait3A] : memref<2x128xi32, #tpu.memory_space<vmem>> -> memref<1x128xi32, #tpu.memory_space<vmem>>
        %dma_wait3A_44 = tpu.memref_squeeze %dma_wait3A_43 : memref<1x128xi32, #tpu.memory_space<vmem>> -> memref<128xi32, #tpu.memory_space<vmem>>
        %dma_wait3A_45 = arith.constant 0 : i32
        %dma_wait3A_46 = arith.constant 0 : i32
        %dma_wait3A_47 = tpu.memref_slice %arg7[%dma_wait3A_45, %dma_wait3A_46] : memref<10240x128xf32, #tpu.memory_space<vmem_shared>> -> memref<10240x128xf32, #tpu.memory_space<vmem_shared>>
        tpu.wait_indirect_dma semaphore(%run_scoped3A_37 : memref<!tpu.dma_semaphore, #tpu.memory_space<semaphore_mem>>) src(%arg5 : memref<128x128xf32, #tpu.memory_space<vmem>>) dst(%dma_wait3A_47 : memref<10240x128xf32, #tpu.memory_space<vmem_shared>>)
        tpu.yield
      }) : () -> ()
    }
    %scan3A_24 = arith.constant 80 : i32
    %barrier3A_25 = arith.constant 0 : index
    tpu.barrier barrier_id(%barrier3A_25)
    %scan3A_26 = arith.constant 0 : i32
    %scan3A_27 = arith.constant 10 : i32
    %scan3A_28 = arith.addi %scan3A_26, %scan3A_27 : i32
    %scan3A_29 = arith.constant 1 : i32
    scf.for %scan3A_31 = %scan3A_26 to %scan3A_28 step %scan3A_29  : i32 {
      %mul3A_32 = arith.constant 64 : i32
      %mul3A_33 = arith.muli %scan3A_31, %mul3A_32 : i32
      %add3A_34 = arith.constant 0 : i32
      %add3A_35 = arith.addi %add3A_34, %mul3A_33 : i32
      %mul3A_36 = arith.constant 640 : i32
      %mul3A_37 = arith.muli %arg1, %mul3A_36 : i32
      %add3A_38 = arith.addi %mul3A_37, %add3A_35 : i32
      "tpu.region"() ({
        %run_scoped3A = tpu.sem_alloc : memref<!tpu.dma_semaphore, #tpu.memory_space<semaphore_mem>>
        %dma_start3A = arith.constant 0 : i32
        %dma_start3A_39 = tpu.memref_slice %arg3[%arg0, %add3A_38, %dma_start3A] : memref<2x10240x128xf32, #tpu.memory_space<hbm>> -> memref<1x64x128xf32, #tpu.memory_space<hbm>>
        %dma_start3A_40 = tpu.memref_squeeze %dma_start3A_39 : memref<1x64x128xf32, #tpu.memory_space<hbm>> -> memref<64x128xf32, #tpu.memory_space<hbm>>
        %dma_start3A_41 = arith.constant 0 : i32
        %dma_start3A_42 = tpu.memref_slice %arg7[%add3A_38, %dma_start3A_41] : memref<10240x128xf32, #tpu.memory_space<vmem_shared>> -> memref<64x128xf32, #tpu.memory_space<vmem_shared>>
        tpu.enqueue_dma source(%dma_start3A_42 : memref<64x128xf32, #tpu.memory_space<vmem_shared>>) target(%dma_start3A_40 : memref<64x128xf32, #tpu.memory_space<hbm>>) target_semaphore(%run_scoped3A : memref<!tpu.dma_semaphore, #tpu.memory_space<semaphore_mem>>)
        %dma_wait3A = arith.constant 0 : i32
        %dma_wait3A_43 = tpu.memref_slice %arg3[%arg0, %add3A_38, %dma_wait3A] : memref<2x10240x128xf32, #tpu.memory_space<hbm>> -> memref<1x64x128xf32, #tpu.memory_space<hbm>>
        %dma_wait3A_44 = tpu.memref_squeeze %dma_wait3A_43 : memref<1x64x128xf32, #tpu.memory_space<hbm>> -> memref<64x128xf32, #tpu.memory_space<hbm>>
        %dma_wait3A_45 = arith.constant 0 : i32
        %dma_wait3A_46 = tpu.memref_slice %arg7[%add3A_38, %dma_wait3A_45] : memref<10240x128xf32, #tpu.memory_space<vmem_shared>> -> memref<64x128xf32, #tpu.memory_space<vmem_shared>>
        tpu.wait_dma2 semaphore(%run_scoped3A : memref<!tpu.dma_semaphore, #tpu.memory_space<semaphore_mem>>) src(%dma_wait3A_46 : memref<64x128xf32, #tpu.memory_space<vmem_shared>>) dst(%dma_wait3A_44 : memref<64x128xf32, #tpu.memory_space<hbm>>)
        tpu.yield
      }) : () -> ()
    }
    %scan3A_30 = arith.constant 10 : i32
    return
  }
}

#map = affine_map<(d0, d1) -> (0, 0)>
#map1 = affine_map<(d0, d1) -> (0, 0, 0)>
module attributes {stable_mosaic.version = 14 : i64} {
  func.func @body(%arg0: i32, %arg1: i32, %arg2: memref<10000x128xf32, #tpu.memory_space<hbm>>, %arg3: memref<2560x2x128xi32, #tpu.memory_space<hbm>>, %arg4: memref<2x10240x128xf32, #tpu.memory_space<hbm>>, %arg5: memref<2x128xi32, #tpu.memory_space<vmem>>, %arg6: memref<128x128xf32, #tpu.memory_space<vmem>>, %arg7: memref<64x128xf32, #tpu.memory_space<vmem>>, %arg8: memref<10240x128xf32, #tpu.memory_space<vmem_shared>>, %arg9: memref<!tpu.dma_semaphore, #tpu.memory_space<semaphore_mem>>) attributes {dimension_semantics = [#tpu.dimension_semantics<core_parallel>, #tpu.dimension_semantics<subcore_parallel>], iteration_bounds = array<i64: 2, 16>, scalar_prefetch = 0 : i64, scratch_operands = 5 : i64, tpu.core_type = #tpu.core_type<sc_vector_subcore>, window_params = [{transform_indices = #map}, {transform_indices = #map1}, {transform_indices = #map1}]} {
    %mul3A = arith.constant 2 : i32
    %mul3A_0 = arith.muli %arg1, %mul3A : i32
    %add3A = arith.addi %mul3A_0, %arg0 : i32
    %broadcast_in_dim3A = arith.constant 0.000000e+00 : f32
    %broadcast_in_dim3A_1 = vector.broadcast %broadcast_in_dim3A : f32 to vector<16xf32>
    %scan3A = arith.constant 0 : i32
    %scan3A_2 = arith.constant 64 : i32
    %scan3A_3 = arith.addi %scan3A, %scan3A_2 : i32
    %scan3A_4 = arith.constant 1 : i32
    scf.for %scan3A_24 = %scan3A to %scan3A_3 step %scan3A_4  : i32 {
      %mul3A_25 = arith.constant 1 : i32
      %mul3A_26 = arith.muli %scan3A_24, %mul3A_25 : i32
      %add3A_27 = arith.constant 0 : i32
      %add3A_28 = arith.addi %add3A_27, %mul3A_26 : i32
      %scan3A_29 = arith.constant 0 : i32
      %scan3A_30 = arith.constant 8 : i32
      %scan3A_31 = arith.addi %scan3A_29, %scan3A_30 : i32
      %scan3A_32 = arith.constant 1 : i32
      scf.for %scan3A_34 = %scan3A_29 to %scan3A_31 step %scan3A_32  : i32 {
        %mul3A_35 = arith.constant 16 : i32
        %mul3A_36 = arith.muli %scan3A_34, %mul3A_35 : i32
        %add3A_37 = arith.constant 0 : i32
        %add3A_38 = arith.addi %add3A_37, %mul3A_36 : i32
        %swap3A = arith.index_cast %add3A_28 : i32 to index
        %swap3A_39 = arith.index_cast %add3A_38 : i32 to index
        %swap3A_40 = tpu.vector_load %arg7[%swap3A, %swap3A_39] {strides = array<i32>} : memref<64x128xf32, #tpu.memory_space<vmem>>, vector<1x16xf32>,
        %swap3A_41 = vector.shape_cast %swap3A_40 : vector<1x16xf32> to vector<16xf32>
        %swap3A_42 = vector.shape_cast %broadcast_in_dim3A_1 : vector<16xf32> to vector<1x16xf32>
        tpu.vector_store %arg7[%swap3A, %swap3A_39], %swap3A_42 {strides = array<i32>} : memref<64x128xf32, #tpu.memory_space<vmem>>, vector<1x16xf32>,
      }
      %scan3A_33 = arith.constant 8 : i32
    }
    %scan3A_5 = arith.constant 64 : i32
    %scan3A_6 = arith.constant 0 : i32
    %scan3A_7 = arith.constant 10 : i32
    %scan3A_8 = arith.addi %scan3A_6, %scan3A_7 : i32
    %scan3A_9 = arith.constant 1 : i32
    scf.for %scan3A_24 = %scan3A_6 to %scan3A_8 step %scan3A_9  : i32 {
      %mul3A_25 = arith.constant 64 : i32
      %mul3A_26 = arith.muli %scan3A_24, %mul3A_25 : i32
      %add3A_27 = arith.constant 0 : i32
      %add3A_28 = arith.addi %add3A_27, %mul3A_26 : i32
      %mul3A_29 = arith.constant 640 : i32
      %mul3A_30 = arith.muli %arg1, %mul3A_29 : i32
      %add3A_31 = arith.addi %mul3A_30, %add3A_28 : i32
      "tpu.region"() ({
        %run_scoped3A = tpu.sem_alloc : memref<!tpu.dma_semaphore, #tpu.memory_space<semaphore_mem>>
        %dma_start3A = arith.constant 0 : i32
        %dma_start3A_32 = tpu.memref_slice %arg8[%add3A_31, %dma_start3A] : memref<10240x128xf32, #tpu.memory_space<vmem_shared>> -> memref<64x128xf32, #tpu.memory_space<vmem_shared>>
        %dma_start3A_33 = arith.constant 0 : i32
        %dma_start3A_34 = tpu.memref_slice %arg8[%add3A_31, %dma_start3A_33] : memref<10240x128xf32, #tpu.memory_space<vmem_shared>> -> memref<64x128xf32, #tpu.memory_space<vmem_shared>>
        tpu.enqueue_dma source(%arg7 : memref<64x128xf32, #tpu.memory_space<vmem>>) target(%dma_start3A_34 : memref<64x128xf32, #tpu.memory_space<vmem_shared>>) target_semaphore(%run_scoped3A : memref<!tpu.dma_semaphore, #tpu.memory_space<semaphore_mem>>)
        %dma_wait3A = arith.constant 0 : i32
        %dma_wait3A_35 = tpu.memref_slice %arg8[%add3A_31, %dma_wait3A] : memref<10240x128xf32, #tpu.memory_space<vmem_shared>> -> memref<64x128xf32, #tpu.memory_space<vmem_shared>>
        %dma_wait3A_36 = arith.constant 0 : i32
        %dma_wait3A_37 = tpu.memref_slice %arg8[%add3A_31, %dma_wait3A_36] : memref<10240x128xf32, #tpu.memory_space<vmem_shared>> -> memref<64x128xf32, #tpu.memory_space<vmem_shared>>
        tpu.wait_dma2 semaphore(%run_scoped3A : memref<!tpu.dma_semaphore, #tpu.memory_space<semaphore_mem>>) src(%arg7 : memref<64x128xf32, #tpu.memory_space<vmem>>) dst(%dma_wait3A_37 : memref<64x128xf32, #tpu.memory_space<vmem_shared>>)
        tpu.yield
      }) : () -> ()
    }
    %scan3A_10 = arith.constant 10 : i32
    %barrier3A = arith.constant 0 : index
    tpu.barrier barrier_id(%barrier3A)
    %mul3A_11 = arith.constant 80 : i32
    %mul3A_12 = arith.muli %add3A, %mul3A_11 : i32
    %scan3A_13 = arith.constant 0 : i32
    %scan3A_14 = arith.constant 80 : i32
    %scan3A_15 = arith.addi %scan3A_13, %scan3A_14 : i32
    %scan3A_16 = arith.constant 1 : i32
    scf.for %scan3A_24 = %scan3A_13 to %scan3A_15 step %scan3A_16  : i32 {
      %mul3A_25 = arith.constant 1 : i32
      %mul3A_26 = arith.muli %scan3A_24, %mul3A_25 : i32
      %add3A_27 = arith.constant 0 : i32
      %add3A_28 = arith.addi %add3A_27, %mul3A_26 : i32
      %add3A_29 = arith.addi %mul3A_12, %add3A_28 : i32
      "tpu.region"() ({
        %run_scoped3A_42 = tpu.sem_alloc : memref<!tpu.dma_semaphore, #tpu.memory_space<semaphore_mem>>
        %dma_start3A_43 = arith.constant 0 : i32
        %dma_start3A_44 = arith.constant 0 : i32
        %dma_start3A_45 = tpu.memref_slice %arg3[%add3A_29, %dma_start3A_43, %dma_start3A_44] : memref<2560x2x128xi32, #tpu.memory_space<hbm>> -> memref<1x2x128xi32, #tpu.memory_space<hbm>>
        %dma_start3A_46 = tpu.memref_squeeze %dma_start3A_45 : memref<1x2x128xi32, #tpu.memory_space<hbm>> -> memref<2x128xi32, #tpu.memory_space<hbm>>
        %dma_start3A_47 = arith.constant 0 : i32
        %dma_start3A_48 = arith.constant 0 : i32
        %dma_start3A_49 = tpu.memref_slice %arg3[%add3A_29, %dma_start3A_47, %dma_start3A_48] : memref<2560x2x128xi32, #tpu.memory_space<hbm>> -> memref<1x2x128xi32, #tpu.memory_space<hbm>>
        %dma_start3A_50 = tpu.memref_squeeze %dma_start3A_49 : memref<1x2x128xi32, #tpu.memory_space<hbm>> -> memref<2x128xi32, #tpu.memory_space<hbm>>
        tpu.enqueue_dma source(%dma_start3A_50 : memref<2x128xi32, #tpu.memory_space<hbm>>) target(%arg5 : memref<2x128xi32, #tpu.memory_space<vmem>>) target_semaphore(%run_scoped3A_42 : memref<!tpu.dma_semaphore, #tpu.memory_space<semaphore_mem>>)
        %dma_wait3A_51 = arith.constant 0 : i32
        %dma_wait3A_52 = arith.constant 0 : i32
        %dma_wait3A_53 = tpu.memref_slice %arg3[%add3A_29, %dma_wait3A_51, %dma_wait3A_52] : memref<2560x2x128xi32, #tpu.memory_space<hbm>> -> memref<1x2x128xi32, #tpu.memory_space<hbm>>
        %dma_wait3A_54 = tpu.memref_squeeze %dma_wait3A_53 : memref<1x2x128xi32, #tpu.memory_space<hbm>> -> memref<2x128xi32, #tpu.memory_space<hbm>>
        %dma_wait3A_55 = arith.constant 0 : i32
        %dma_wait3A_56 = arith.constant 0 : i32
        %dma_wait3A_57 = tpu.memref_slice %arg3[%add3A_29, %dma_wait3A_55, %dma_wait3A_56] : memref<2560x2x128xi32, #tpu.memory_space<hbm>> -> memref<1x2x128xi32, #tpu.memory_space<hbm>>
        %dma_wait3A_58 = tpu.memref_squeeze %dma_wait3A_57 : memref<1x2x128xi32, #tpu.memory_space<hbm>> -> memref<2x128xi32, #tpu.memory_space<hbm>>
        tpu.wait_dma2 semaphore(%run_scoped3A_42 : memref<!tpu.dma_semaphore, #tpu.memory_space<semaphore_mem>>) src(%dma_wait3A_58 : memref<2x128xi32, #tpu.memory_space<hbm>>) dst(%arg5 : memref<2x128xi32, #tpu.memory_space<vmem>>)
        tpu.yield
      }) : () -> ()
      %dma_start3A = arith.constant 0 : i32
      %dma_start3A_30 = arith.constant 0 : i32
      %dma_start3A_31 = tpu.memref_slice %arg5[%dma_start3A, %dma_start3A_30] : memref<2x128xi32, #tpu.memory_space<vmem>> -> memref<1x128xi32, #tpu.memory_space<vmem>>
      %dma_start3A_32 = tpu.memref_squeeze %dma_start3A_31 : memref<1x128xi32, #tpu.memory_space<vmem>> -> memref<128xi32, #tpu.memory_space<vmem>>
      %dma_start3A_33 = arith.constant 0 : i32
      %dma_start3A_34 = arith.constant 0 : i32
      %dma_start3A_35 = tpu.memref_slice %arg2[%dma_start3A_33, %dma_start3A_34] : memref<10000x128xf32, #tpu.memory_space<hbm>> -> memref<10000x128xf32, #tpu.memory_space<hbm>>
      tpu.enqueue_indirect_dma source(%dma_start3A_35 : memref<10000x128xf32, #tpu.memory_space<hbm>>) target(%arg6 : memref<128x128xf32, #tpu.memory_space<vmem>>) offsets(%dma_start3A_32 : memref<128xi32, #tpu.memory_space<vmem>>) semaphore(%arg9 : memref<!tpu.dma_semaphore, #tpu.memory_space<semaphore_mem>>)
      %dma_wait3A = arith.constant 0 : i32
      %dma_wait3A_36 = arith.constant 0 : i32
      %dma_wait3A_37 = tpu.memref_slice %arg5[%dma_wait3A, %dma_wait3A_36] : memref<2x128xi32, #tpu.memory_space<vmem>> -> memref<1x128xi32, #tpu.memory_space<vmem>>
      %dma_wait3A_38 = tpu.memref_squeeze %dma_wait3A_37 : memref<1x128xi32, #tpu.memory_space<vmem>> -> memref<128xi32, #tpu.memory_space<vmem>>
      %dma_wait3A_39 = arith.constant 0 : i32
      %dma_wait3A_40 = arith.constant 0 : i32
      %dma_wait3A_41 = tpu.memref_slice %arg2[%dma_wait3A_39, %dma_wait3A_40] : memref<10000x128xf32, #tpu.memory_space<hbm>> -> memref<10000x128xf32, #tpu.memory_space<hbm>>
      tpu.wait_indirect_dma semaphore(%arg9 : memref<!tpu.dma_semaphore, #tpu.memory_space<semaphore_mem>>) src(%dma_wait3A_41 : memref<10000x128xf32, #tpu.memory_space<hbm>>) dst(%arg6 : memref<128x128xf32, #tpu.memory_space<vmem>>)
      %run_scoped3A = arith.constant 1 : i32
      "tpu.region"() ({
        %run_scoped3A_42 = tpu.sem_alloc : memref<!tpu.dma_semaphore, #tpu.memory_space<semaphore_mem>>
        %dma_start3A_43 = arith.constant 0 : i32
        %dma_start3A_44 = tpu.memref_slice %arg5[%run_scoped3A, %dma_start3A_43] : memref<2x128xi32, #tpu.memory_space<vmem>> -> memref<1x128xi32, #tpu.memory_space<vmem>>
        %dma_start3A_45 = tpu.memref_squeeze %dma_start3A_44 : memref<1x128xi32, #tpu.memory_space<vmem>> -> memref<128xi32, #tpu.memory_space<vmem>>
        %dma_start3A_46 = arith.constant 0 : i32
        %dma_start3A_47 = arith.constant 0 : i32
        %dma_start3A_48 = tpu.memref_slice %arg8[%dma_start3A_46, %dma_start3A_47] : memref<10240x128xf32, #tpu.memory_space<vmem_shared>> -> memref<10240x128xf32, #tpu.memory_space<vmem_shared>>
        tpu.enqueue_indirect_dma source(%arg6 : memref<128x128xf32, #tpu.memory_space<vmem>>) target(%dma_start3A_48 : memref<10240x128xf32, #tpu.memory_space<vmem_shared>>) offsets(%dma_start3A_45 : memref<128xi32, #tpu.memory_space<vmem>>) semaphore(%run_scoped3A_42 : memref<!tpu.dma_semaphore, #tpu.memory_space<semaphore_mem>>) {add = true}
        %dma_wait3A_49 = arith.constant 0 : i32
        %dma_wait3A_50 = tpu.memref_slice %arg5[%run_scoped3A, %dma_wait3A_49] : memref<2x128xi32, #tpu.memory_space<vmem>> -> memref<1x128xi32, #tpu.memory_space<vmem>>
        %dma_wait3A_51 = tpu.memref_squeeze %dma_wait3A_50 : memref<1x128xi32, #tpu.memory_space<vmem>> -> memref<128xi32, #tpu.memory_space<vmem>>
        %dma_wait3A_52 = arith.constant 0 : i32
        %dma_wait3A_53 = arith.constant 0 : i32
        %dma_wait3A_54 = tpu.memref_slice %arg8[%dma_wait3A_52, %dma_wait3A_53] : memref<10240x128xf32, #tpu.memory_space<vmem_shared>> -> memref<10240x128xf32, #tpu.memory_space<vmem_shared>>
        tpu.wait_indirect_dma semaphore(%run_scoped3A_42 : memref<!tpu.dma_semaphore, #tpu.memory_space<semaphore_mem>>) src(%arg6 : memref<128x128xf32, #tpu.memory_space<vmem>>) dst(%dma_wait3A_54 : memref<10240x128xf32, #tpu.memory_space<vmem_shared>>)
        tpu.yield
      }) : () -> ()
    }
    %scan3A_17 = arith.constant 80 : i32
    %barrier3A_18 = arith.constant 0 : index
    tpu.barrier barrier_id(%barrier3A_18)
    %scan3A_19 = arith.constant 0 : i32
    %scan3A_20 = arith.constant 10 : i32
    %scan3A_21 = arith.addi %scan3A_19, %scan3A_20 : i32
    %scan3A_22 = arith.constant 1 : i32
    scf.for %scan3A_24 = %scan3A_19 to %scan3A_21 step %scan3A_22  : i32 {
      %mul3A_25 = arith.constant 64 : i32
      %mul3A_26 = arith.muli %scan3A_24, %mul3A_25 : i32
      %add3A_27 = arith.constant 0 : i32
      %add3A_28 = arith.addi %add3A_27, %mul3A_26 : i32
      %mul3A_29 = arith.constant 640 : i32
      %mul3A_30 = arith.muli %arg1, %mul3A_29 : i32
      %add3A_31 = arith.addi %mul3A_30, %add3A_28 : i32
      "tpu.region"() ({
        %run_scoped3A = tpu.sem_alloc : memref<!tpu.dma_semaphore, #tpu.memory_space<semaphore_mem>>
        %dma_start3A = arith.constant 0 : i32
        %dma_start3A_32 = tpu.memref_slice %arg4[%arg0, %add3A_31, %dma_start3A] : memref<2x10240x128xf32, #tpu.memory_space<hbm>> -> memref<1x64x128xf32, #tpu.memory_space<hbm>>
        %dma_start3A_33 = tpu.memref_squeeze %dma_start3A_32 : memref<1x64x128xf32, #tpu.memory_space<hbm>> -> memref<64x128xf32, #tpu.memory_space<hbm>>
        %dma_start3A_34 = arith.constant 0 : i32
        %dma_start3A_35 = tpu.memref_slice %arg8[%add3A_31, %dma_start3A_34] : memref<10240x128xf32, #tpu.memory_space<vmem_shared>> -> memref<64x128xf32, #tpu.memory_space<vmem_shared>>
        tpu.enqueue_dma source(%dma_start3A_35 : memref<64x128xf32, #tpu.memory_space<vmem_shared>>) target(%dma_start3A_33 : memref<64x128xf32, #tpu.memory_space<hbm>>) target_semaphore(%run_scoped3A : memref<!tpu.dma_semaphore, #tpu.memory_space<semaphore_mem>>)
        %dma_wait3A = arith.constant 0 : i32
        %dma_wait3A_36 = tpu.memref_slice %arg4[%arg0, %add3A_31, %dma_wait3A] : memref<2x10240x128xf32, #tpu.memory_space<hbm>> -> memref<1x64x128xf32, #tpu.memory_space<hbm>>
        %dma_wait3A_37 = tpu.memref_squeeze %dma_wait3A_36 : memref<1x64x128xf32, #tpu.memory_space<hbm>> -> memref<64x128xf32, #tpu.memory_space<hbm>>
        %dma_wait3A_38 = arith.constant 0 : i32
        %dma_wait3A_39 = tpu.memref_slice %arg8[%add3A_31, %dma_wait3A_38] : memref<10240x128xf32, #tpu.memory_space<vmem_shared>> -> memref<64x128xf32, #tpu.memory_space<vmem_shared>>
        tpu.wait_dma2 semaphore(%run_scoped3A : memref<!tpu.dma_semaphore, #tpu.memory_space<semaphore_mem>>) src(%dma_wait3A_39 : memref<64x128xf32, #tpu.memory_space<vmem_shared>>) dst(%dma_wait3A_37 : memref<64x128xf32, #tpu.memory_space<hbm>>)
        tpu.yield
      }) : () -> ()
    }
    %scan3A_23 = arith.constant 10 : i32
    return
  }
}

#map = affine_map<(d0, d1) -> (0, 0)>
#map1 = affine_map<(d0, d1) -> (0, 0, 0)>
module attributes {stable_mosaic.version = 14 : i64} {
  func.func @body(%arg0: i32, %arg1: i32, %arg2: memref<10000x128xf32, #tpu.memory_space<hbm>>, %arg3: memref<2560x2x128xi32, #tpu.memory_space<hbm>>, %arg4: memref<2x10240x128xf32, #tpu.memory_space<hbm>>, %arg5: memref<2x128xi32, #tpu.memory_space<vmem>>, %arg6: memref<128x128xf32, #tpu.memory_space<vmem>>, %arg7: memref<64x128xf32, #tpu.memory_space<vmem>>, %arg8: memref<10240x128xf32, #tpu.memory_space<vmem_shared>>, %arg9: memref<!tpu.dma_semaphore, #tpu.memory_space<semaphore_mem>>) attributes {dimension_semantics = [#tpu.dimension_semantics<core_parallel>, #tpu.dimension_semantics<subcore_parallel>], iteration_bounds = array<i64: 2, 16>, scalar_prefetch = 0 : i64, scratch_operands = 5 : i64, tpu.core_type = #tpu.core_type<sc_vector_subcore>, window_params = [{transform_indices = #map}, {transform_indices = #map1}, {transform_indices = #map1}]} {
    %mul3A = arith.constant 2 : i32
    %mul3A_0 = arith.muli %arg1, %mul3A : i32
    %add3A = arith.addi %mul3A_0, %arg0 : i32
    %broadcast_in_dim3A = arith.constant 0.000000e+00 : f32
    %broadcast_in_dim3A_1 = vector.broadcast %broadcast_in_dim3A : f32 to vector<16xf32>
    %scan3A = arith.constant 0 : i32
    %scan3A_2 = arith.constant 64 : i32
    %scan3A_3 = arith.addi %scan3A, %scan3A_2 : i32
    %scan3A_4 = arith.constant 1 : i32
    scf.for %scan3A_24 = %scan3A to %scan3A_3 step %scan3A_4  : i32 {
      %mul3A_25 = arith.constant 1 : i32
      %mul3A_26 = arith.muli %scan3A_24, %mul3A_25 : i32
      %add3A_27 = arith.constant 0 : i32
      %add3A_28 = arith.addi %add3A_27, %mul3A_26 : i32
      %scan3A_29 = arith.constant 0 : i32
      %scan3A_30 = arith.constant 8 : i32
      %scan3A_31 = arith.addi %scan3A_29, %scan3A_30 : i32
      %scan3A_32 = arith.constant 1 : i32
      scf.for %scan3A_34 = %scan3A_29 to %scan3A_31 step %scan3A_32  : i32 {
        %mul3A_35 = arith.constant 16 : i32
        %mul3A_36 = arith.muli %scan3A_34, %mul3A_35 : i32
        %add3A_37 = arith.constant 0 : i32
        %add3A_38 = arith.addi %add3A_37, %mul3A_36 : i32
        %swap3A = arith.index_cast %add3A_28 : i32 to index
        %swap3A_39 = arith.index_cast %add3A_38 : i32 to index
        %swap3A_40 = tpu.vector_load %arg7[%swap3A, %swap3A_39] {strides = array<i32>} : memref<64x128xf32, #tpu.memory_space<vmem>>, vector<1x16xf32>,
        %swap3A_41 = vector.shape_cast %swap3A_40 : vector<1x16xf32> to vector<16xf32>
        %swap3A_42 = vector.shape_cast %broadcast_in_dim3A_1 : vector<16xf32> to vector<1x16xf32>
        tpu.vector_store %arg7[%swap3A, %swap3A_39], %swap3A_42 {strides = array<i32>} : memref<64x128xf32, #tpu.memory_space<vmem>>, vector<1x16xf32>,
      }
      %scan3A_33 = arith.constant 8 : i32
    }
    %scan3A_5 = arith.constant 64 : i32
    %scan3A_6 = arith.constant 0 : i32
    %scan3A_7 = arith.constant 10 : i32
    %scan3A_8 = arith.addi %scan3A_6, %scan3A_7 : i32
    %scan3A_9 = arith.constant 1 : i32
    scf.for %scan3A_24 = %scan3A_6 to %scan3A_8 step %scan3A_9  : i32 {
      %mul3A_25 = arith.constant 64 : i32
      %mul3A_26 = arith.muli %scan3A_24, %mul3A_25 : i32
      %add3A_27 = arith.constant 0 : i32
      %add3A_28 = arith.addi %add3A_27, %mul3A_26 : i32
      %mul3A_29 = arith.constant 640 : i32
      %mul3A_30 = arith.muli %arg1, %mul3A_29 : i32
      %add3A_31 = arith.addi %mul3A_30, %add3A_28 : i32
      "tpu.region"() ({
        %run_scoped3A = tpu.sem_alloc : memref<!tpu.dma_semaphore, #tpu.memory_space<semaphore_mem>>
        %dma_start3A = arith.constant 0 : i32
        %dma_start3A_32 = tpu.memref_slice %arg8[%add3A_31, %dma_start3A] : memref<10240x128xf32, #tpu.memory_space<vmem_shared>> -> memref<64x128xf32, #tpu.memory_space<vmem_shared>>
        %dma_start3A_33 = arith.constant 0 : i32
        %dma_start3A_34 = tpu.memref_slice %arg8[%add3A_31, %dma_start3A_33] : memref<10240x128xf32, #tpu.memory_space<vmem_shared>> -> memref<64x128xf32, #tpu.memory_space<vmem_shared>>
        tpu.enqueue_dma source(%arg7 : memref<64x128xf32, #tpu.memory_space<vmem>>) target(%dma_start3A_34 : memref<64x128xf32, #tpu.memory_space<vmem_shared>>) target_semaphore(%run_scoped3A : memref<!tpu.dma_semaphore, #tpu.memory_space<semaphore_mem>>)
        %dma_wait3A = arith.constant 0 : i32
        %dma_wait3A_35 = tpu.memref_slice %arg8[%add3A_31, %dma_wait3A] : memref<10240x128xf32, #tpu.memory_space<vmem_shared>> -> memref<64x128xf32, #tpu.memory_space<vmem_shared>>
        %dma_wait3A_36 = arith.constant 0 : i32
        %dma_wait3A_37 = tpu.memref_slice %arg8[%add3A_31, %dma_wait3A_36] : memref<10240x128xf32, #tpu.memory_space<vmem_shared>> -> memref<64x128xf32, #tpu.memory_space<vmem_shared>>
        tpu.wait_dma2 semaphore(%run_scoped3A : memref<!tpu.dma_semaphore, #tpu.memory_space<semaphore_mem>>) src(%arg7 : memref<64x128xf32, #tpu.memory_space<vmem>>) dst(%dma_wait3A_37 : memref<64x128xf32, #tpu.memory_space<vmem_shared>>)
        tpu.yield
      }) : () -> ()
    }
    %scan3A_10 = arith.constant 10 : i32
    %barrier3A = arith.constant 0 : index
    tpu.barrier barrier_id(%barrier3A)
    %mul3A_11 = arith.constant 80 : i32
    %mul3A_12 = arith.muli %add3A, %mul3A_11 : i32
    %scan3A_13 = arith.constant 0 : i32
    %scan3A_14 = arith.constant 80 : i32
    %scan3A_15 = arith.addi %scan3A_13, %scan3A_14 : i32
    %scan3A_16 = arith.constant 1 : i32
    scf.for %scan3A_24 = %scan3A_13 to %scan3A_15 step %scan3A_16  : i32 {
      %mul3A_25 = arith.constant 1 : i32
      %mul3A_26 = arith.muli %scan3A_24, %mul3A_25 : i32
      %add3A_27 = arith.constant 0 : i32
      %add3A_28 = arith.addi %add3A_27, %mul3A_26 : i32
      %add3A_29 = arith.addi %mul3A_12, %add3A_28 : i32
      "tpu.region"() ({
        %run_scoped3A_42 = tpu.sem_alloc : memref<!tpu.dma_semaphore, #tpu.memory_space<semaphore_mem>>
        %dma_start3A_43 = arith.constant 0 : i32
        %dma_start3A_44 = arith.constant 0 : i32
        %dma_start3A_45 = tpu.memref_slice %arg3[%add3A_29, %dma_start3A_43, %dma_start3A_44] : memref<2560x2x128xi32, #tpu.memory_space<hbm>> -> memref<1x2x128xi32, #tpu.memory_space<hbm>>
        %dma_start3A_46 = tpu.memref_squeeze %dma_start3A_45 : memref<1x2x128xi32, #tpu.memory_space<hbm>> -> memref<2x128xi32, #tpu.memory_space<hbm>>
        %dma_start3A_47 = arith.constant 0 : i32
        %dma_start3A_48 = arith.constant 0 : i32
        %dma_start3A_49 = tpu.memref_slice %arg3[%add3A_29, %dma_start3A_47, %dma_start3A_48] : memref<2560x2x128xi32, #tpu.memory_space<hbm>> -> memref<1x2x128xi32, #tpu.memory_space<hbm>>
        %dma_start3A_50 = tpu.memref_squeeze %dma_start3A_49 : memref<1x2x128xi32, #tpu.memory_space<hbm>> -> memref<2x128xi32, #tpu.memory_space<hbm>>
        tpu.enqueue_dma source(%dma_start3A_50 : memref<2x128xi32, #tpu.memory_space<hbm>>) target(%arg5 : memref<2x128xi32, #tpu.memory_space<vmem>>) target_semaphore(%run_scoped3A_42 : memref<!tpu.dma_semaphore, #tpu.memory_space<semaphore_mem>>)
        %dma_wait3A_51 = arith.constant 0 : i32
        %dma_wait3A_52 = arith.constant 0 : i32
        %dma_wait3A_53 = tpu.memref_slice %arg3[%add3A_29, %dma_wait3A_51, %dma_wait3A_52] : memref<2560x2x128xi32, #tpu.memory_space<hbm>> -> memref<1x2x128xi32, #tpu.memory_space<hbm>>
        %dma_wait3A_54 = tpu.memref_squeeze %dma_wait3A_53 : memref<1x2x128xi32, #tpu.memory_space<hbm>> -> memref<2x128xi32, #tpu.memory_space<hbm>>
        %dma_wait3A_55 = arith.constant 0 : i32
        %dma_wait3A_56 = arith.constant 0 : i32
        %dma_wait3A_57 = tpu.memref_slice %arg3[%add3A_29, %dma_wait3A_55, %dma_wait3A_56] : memref<2560x2x128xi32, #tpu.memory_space<hbm>> -> memref<1x2x128xi32, #tpu.memory_space<hbm>>
        %dma_wait3A_58 = tpu.memref_squeeze %dma_wait3A_57 : memref<1x2x128xi32, #tpu.memory_space<hbm>> -> memref<2x128xi32, #tpu.memory_space<hbm>>
        tpu.wait_dma2 semaphore(%run_scoped3A_42 : memref<!tpu.dma_semaphore, #tpu.memory_space<semaphore_mem>>) src(%dma_wait3A_58 : memref<2x128xi32, #tpu.memory_space<hbm>>) dst(%arg5 : memref<2x128xi32, #tpu.memory_space<vmem>>)
        tpu.yield
      }) : () -> ()
      %dma_start3A = arith.constant 0 : i32
      %dma_start3A_30 = arith.constant 0 : i32
      %dma_start3A_31 = tpu.memref_slice %arg5[%dma_start3A, %dma_start3A_30] : memref<2x128xi32, #tpu.memory_space<vmem>> -> memref<1x128xi32, #tpu.memory_space<vmem>>
      %dma_start3A_32 = tpu.memref_squeeze %dma_start3A_31 : memref<1x128xi32, #tpu.memory_space<vmem>> -> memref<128xi32, #tpu.memory_space<vmem>>
      %dma_start3A_33 = arith.constant 0 : i32
      %dma_start3A_34 = arith.constant 0 : i32
      %dma_start3A_35 = tpu.memref_slice %arg2[%dma_start3A_33, %dma_start3A_34] : memref<10000x128xf32, #tpu.memory_space<hbm>> -> memref<10000x128xf32, #tpu.memory_space<hbm>>
      tpu.enqueue_indirect_dma source(%dma_start3A_35 : memref<10000x128xf32, #tpu.memory_space<hbm>>) target(%arg6 : memref<128x128xf32, #tpu.memory_space<vmem>>) offsets(%dma_start3A_32 : memref<128xi32, #tpu.memory_space<vmem>>) semaphore(%arg9 : memref<!tpu.dma_semaphore, #tpu.memory_space<semaphore_mem>>)
      %dma_wait3A = arith.constant 0 : i32
      %dma_wait3A_36 = arith.constant 0 : i32
      %dma_wait3A_37 = tpu.memref_slice %arg5[%dma_wait3A, %dma_wait3A_36] : memref<2x128xi32, #tpu.memory_space<vmem>> -> memref<1x128xi32, #tpu.memory_space<vmem>>
      %dma_wait3A_38 = tpu.memref_squeeze %dma_wait3A_37 : memref<1x128xi32, #tpu.memory_space<vmem>> -> memref<128xi32, #tpu.memory_space<vmem>>
      %dma_wait3A_39 = arith.constant 0 : i32
      %dma_wait3A_40 = arith.constant 0 : i32
      %dma_wait3A_41 = tpu.memref_slice %arg2[%dma_wait3A_39, %dma_wait3A_40] : memref<10000x128xf32, #tpu.memory_space<hbm>> -> memref<10000x128xf32, #tpu.memory_space<hbm>>
      tpu.wait_indirect_dma semaphore(%arg9 : memref<!tpu.dma_semaphore, #tpu.memory_space<semaphore_mem>>) src(%dma_wait3A_41 : memref<10000x128xf32, #tpu.memory_space<hbm>>) dst(%arg6 : memref<128x128xf32, #tpu.memory_space<vmem>>)
      %run_scoped3A = arith.constant 1 : i32
      "tpu.region"() ({
        %run_scoped3A_42 = tpu.sem_alloc : memref<!tpu.dma_semaphore, #tpu.memory_space<semaphore_mem>>
        %dma_start3A_43 = arith.constant 0 : i32
        %dma_start3A_44 = tpu.memref_slice %arg5[%run_scoped3A, %dma_start3A_43] : memref<2x128xi32, #tpu.memory_space<vmem>> -> memref<1x128xi32, #tpu.memory_space<vmem>>
        %dma_start3A_45 = tpu.memref_squeeze %dma_start3A_44 : memref<1x128xi32, #tpu.memory_space<vmem>> -> memref<128xi32, #tpu.memory_space<vmem>>
        %dma_start3A_46 = arith.constant 0 : i32
        %dma_start3A_47 = arith.constant 0 : i32
        %dma_start3A_48 = tpu.memref_slice %arg8[%dma_start3A_46, %dma_start3A_47] : memref<10240x128xf32, #tpu.memory_space<vmem_shared>> -> memref<10240x128xf32, #tpu.memory_space<vmem_shared>>
        tpu.enqueue_indirect_dma source(%arg6 : memref<128x128xf32, #tpu.memory_space<vmem>>) target(%dma_start3A_48 : memref<10240x128xf32, #tpu.memory_space<vmem_shared>>) offsets(%dma_start3A_45 : memref<128xi32, #tpu.memory_space<vmem>>) semaphore(%run_scoped3A_42 : memref<!tpu.dma_semaphore, #tpu.memory_space<semaphore_mem>>) {add = true}
        %dma_wait3A_49 = arith.constant 0 : i32
        %dma_wait3A_50 = tpu.memref_slice %arg5[%run_scoped3A, %dma_wait3A_49] : memref<2x128xi32, #tpu.memory_space<vmem>> -> memref<1x128xi32, #tpu.memory_space<vmem>>
        %dma_wait3A_51 = tpu.memref_squeeze %dma_wait3A_50 : memref<1x128xi32, #tpu.memory_space<vmem>> -> memref<128xi32, #tpu.memory_space<vmem>>
        %dma_wait3A_52 = arith.constant 0 : i32
        %dma_wait3A_53 = arith.constant 0 : i32
        %dma_wait3A_54 = tpu.memref_slice %arg8[%dma_wait3A_52, %dma_wait3A_53] : memref<10240x128xf32, #tpu.memory_space<vmem_shared>> -> memref<10240x128xf32, #tpu.memory_space<vmem_shared>>
        tpu.wait_indirect_dma semaphore(%run_scoped3A_42 : memref<!tpu.dma_semaphore, #tpu.memory_space<semaphore_mem>>) src(%arg6 : memref<128x128xf32, #tpu.memory_space<vmem>>) dst(%dma_wait3A_54 : memref<10240x128xf32, #tpu.memory_space<vmem_shared>>)
        tpu.yield
      }) : () -> ()
    }
    %scan3A_17 = arith.constant 80 : i32
    %barrier3A_18 = arith.constant 0 : index
    tpu.barrier barrier_id(%barrier3A_18)
    %scan3A_19 = arith.constant 0 : i32
    %scan3A_20 = arith.constant 10 : i32
    %scan3A_21 = arith.addi %scan3A_19, %scan3A_20 : i32
    %scan3A_22 = arith.constant 1 : i32
    scf.for %scan3A_24 = %scan3A_19 to %scan3A_21 step %scan3A_22  : i32 {
      %mul3A_25 = arith.constant 64 : i32
      %mul3A_26 = arith.muli %scan3A_24, %mul3A_25 : i32
      %add3A_27 = arith.constant 0 : i32
      %add3A_28 = arith.addi %add3A_27, %mul3A_26 : i32
      %mul3A_29 = arith.constant 640 : i32
      %mul3A_30 = arith.muli %arg1, %mul3A_29 : i32
      %add3A_31 = arith.addi %mul3A_30, %add3A_28 : i32
      "tpu.region"() ({
        %run_scoped3A = tpu.sem_alloc : memref<!tpu.dma_semaphore, #tpu.memory_space<semaphore_mem>>
        %dma_start3A = arith.constant 0 : i32
        %dma_start3A_32 = tpu.memref_slice %arg4[%arg0, %add3A_31, %dma_start3A] : memref<2x10240x128xf32, #tpu.memory_space<hbm>> -> memref<1x64x128xf32, #tpu.memory_space<hbm>>
        %dma_start3A_33 = tpu.memref_squeeze %dma_start3A_32 : memref<1x64x128xf32, #tpu.memory_space<hbm>> -> memref<64x128xf32, #tpu.memory_space<hbm>>
        %dma_start3A_34 = arith.constant 0 : i32
        %dma_start3A_35 = tpu.memref_slice %arg8[%add3A_31, %dma_start3A_34] : memref<10240x128xf32, #tpu.memory_space<vmem_shared>> -> memref<64x128xf32, #tpu.memory_space<vmem_shared>>
        tpu.enqueue_dma source(%dma_start3A_35 : memref<64x128xf32, #tpu.memory_space<vmem_shared>>) target(%dma_start3A_33 : memref<64x128xf32, #tpu.memory_space<hbm>>) target_semaphore(%run_scoped3A : memref<!tpu.dma_semaphore, #tpu.memory_space<semaphore_mem>>)
        %dma_wait3A = arith.constant 0 : i32
        %dma_wait3A_36 = tpu.memref_slice %arg4[%arg0, %add3A_31, %dma_wait3A] : memref<2x10240x128xf32, #tpu.memory_space<hbm>> -> memref<1x64x128xf32, #tpu.memory_space<hbm>>
        %dma_wait3A_37 = tpu.memref_squeeze %dma_wait3A_36 : memref<1x64x128xf32, #tpu.memory_space<hbm>> -> memref<64x128xf32, #tpu.memory_space<hbm>>
        %dma_wait3A_38 = arith.constant 0 : i32
        %dma_wait3A_39 = tpu.memref_slice %arg8[%add3A_31, %dma_wait3A_38] : memref<10240x128xf32, #tpu.memory_space<vmem_shared>> -> memref<64x128xf32, #tpu.memory_space<vmem_shared>>
        tpu.wait_dma2 semaphore(%run_scoped3A : memref<!tpu.dma_semaphore, #tpu.memory_space<semaphore_mem>>) src(%dma_wait3A_39 : memref<64x128xf32, #tpu.memory_space<vmem_shared>>) dst(%dma_wait3A_37 : memref<64x128xf32, #tpu.memory_space<hbm>>)
        tpu.yield
      }) : () -> ()
    }
    %scan3A_23 = arith.constant 10 : i32
    return
  }
}

#map = affine_map<(d0, d1) -> (0, 0)>
#map1 = affine_map<(d0, d1) -> (0, 0, 0)>
module attributes {stable_mosaic.version = 14 : i64} {
  func.func @body(%arg0: i32, %arg1: i32, %arg2: memref<10000x128xf32, #tpu.memory_space<hbm>>, %arg3: memref<2560x2x128xi32, #tpu.memory_space<hbm>>, %arg4: memref<2x10240x128xf32, #tpu.memory_space<hbm>>, %arg5: memref<2x128xi32, #tpu.memory_space<vmem>>, %arg6: memref<128x128xf32, #tpu.memory_space<vmem>>, %arg7: memref<64x128xf32, #tpu.memory_space<vmem>>, %arg8: memref<10240x128xf32, #tpu.memory_space<vmem_shared>>, %arg9: memref<!tpu.dma_semaphore, #tpu.memory_space<semaphore_mem>>) attributes {dimension_semantics = [#tpu.dimension_semantics<core_parallel>, #tpu.dimension_semantics<subcore_parallel>], iteration_bounds = array<i64: 2, 16>, scalar_prefetch = 0 : i64, scratch_operands = 5 : i64, tpu.core_type = #tpu.core_type<sc_vector_subcore>, window_params = [{transform_indices = #map}, {transform_indices = #map1}, {transform_indices = #map1}]} {
    %mul3A = arith.constant 2 : i32
    %mul3A_0 = arith.muli %arg1, %mul3A : i32
    %add3A = arith.addi %mul3A_0, %arg0 : i32
    %broadcast_in_dim3A = arith.constant 0.000000e+00 : f32
    %broadcast_in_dim3A_1 = vector.broadcast %broadcast_in_dim3A : f32 to vector<16xf32>
    %scan3A = arith.constant 0 : i32
    %scan3A_2 = arith.constant 64 : i32
    %scan3A_3 = arith.addi %scan3A, %scan3A_2 : i32
    %scan3A_4 = arith.constant 1 : i32
    scf.for %scan3A_24 = %scan3A to %scan3A_3 step %scan3A_4  : i32 {
      %mul3A_25 = arith.constant 1 : i32
      %mul3A_26 = arith.muli %scan3A_24, %mul3A_25 : i32
      %add3A_27 = arith.constant 0 : i32
      %add3A_28 = arith.addi %add3A_27, %mul3A_26 : i32
      %scan3A_29 = arith.constant 0 : i32
      %scan3A_30 = arith.constant 8 : i32
      %scan3A_31 = arith.addi %scan3A_29, %scan3A_30 : i32
      %scan3A_32 = arith.constant 1 : i32
      scf.for %scan3A_34 = %scan3A_29 to %scan3A_31 step %scan3A_32  : i32 {
        %mul3A_35 = arith.constant 16 : i32
        %mul3A_36 = arith.muli %scan3A_34, %mul3A_35 : i32
        %add3A_37 = arith.constant 0 : i32
        %add3A_38 = arith.addi %add3A_37, %mul3A_36 : i32
        %swap3A = arith.index_cast %add3A_28 : i32 to index
        %swap3A_39 = arith.index_cast %add3A_38 : i32 to index
        %swap3A_40 = tpu.vector_load %arg7[%swap3A, %swap3A_39] {strides = array<i32>} : memref<64x128xf32, #tpu.memory_space<vmem>>, vector<1x16xf32>,
        %swap3A_41 = vector.shape_cast %swap3A_40 : vector<1x16xf32> to vector<16xf32>
        %swap3A_42 = vector.shape_cast %broadcast_in_dim3A_1 : vector<16xf32> to vector<1x16xf32>
        tpu.vector_store %arg7[%swap3A, %swap3A_39], %swap3A_42 {strides = array<i32>} : memref<64x128xf32, #tpu.memory_space<vmem>>, vector<1x16xf32>,
      }
      %scan3A_33 = arith.constant 8 : i32
    }
    %scan3A_5 = arith.constant 64 : i32
    %scan3A_6 = arith.constant 0 : i32
    %scan3A_7 = arith.constant 10 : i32
    %scan3A_8 = arith.addi %scan3A_6, %scan3A_7 : i32
    %scan3A_9 = arith.constant 1 : i32
    scf.for %scan3A_24 = %scan3A_6 to %scan3A_8 step %scan3A_9  : i32 {
      %mul3A_25 = arith.constant 64 : i32
      %mul3A_26 = arith.muli %scan3A_24, %mul3A_25 : i32
      %add3A_27 = arith.constant 0 : i32
      %add3A_28 = arith.addi %add3A_27, %mul3A_26 : i32
      %mul3A_29 = arith.constant 640 : i32
      %mul3A_30 = arith.muli %arg1, %mul3A_29 : i32
      %add3A_31 = arith.addi %mul3A_30, %add3A_28 : i32
      "tpu.region"() ({
        %run_scoped3A = tpu.sem_alloc : memref<!tpu.dma_semaphore, #tpu.memory_space<semaphore_mem>>
        %dma_start3A = arith.constant 0 : i32
        %dma_start3A_32 = tpu.memref_slice %arg8[%add3A_31, %dma_start3A] : memref<10240x128xf32, #tpu.memory_space<vmem_shared>> -> memref<64x128xf32, #tpu.memory_space<vmem_shared>>
        %dma_start3A_33 = arith.constant 0 : i32
        %dma_start3A_34 = tpu.memref_slice %arg8[%add3A_31, %dma_start3A_33] : memref<10240x128xf32, #tpu.memory_space<vmem_shared>> -> memref<64x128xf32, #tpu.memory_space<vmem_shared>>
        tpu.enqueue_dma source(%arg7 : memref<64x128xf32, #tpu.memory_space<vmem>>) target(%dma_start3A_34 : memref<64x128xf32, #tpu.memory_space<vmem_shared>>) target_semaphore(%run_scoped3A : memref<!tpu.dma_semaphore, #tpu.memory_space<semaphore_mem>>)
        %dma_wait3A = arith.constant 0 : i32
        %dma_wait3A_35 = tpu.memref_slice %arg8[%add3A_31, %dma_wait3A] : memref<10240x128xf32, #tpu.memory_space<vmem_shared>> -> memref<64x128xf32, #tpu.memory_space<vmem_shared>>
        %dma_wait3A_36 = arith.constant 0 : i32
        %dma_wait3A_37 = tpu.memref_slice %arg8[%add3A_31, %dma_wait3A_36] : memref<10240x128xf32, #tpu.memory_space<vmem_shared>> -> memref<64x128xf32, #tpu.memory_space<vmem_shared>>
        tpu.wait_dma2 semaphore(%run_scoped3A : memref<!tpu.dma_semaphore, #tpu.memory_space<semaphore_mem>>) src(%arg7 : memref<64x128xf32, #tpu.memory_space<vmem>>) dst(%dma_wait3A_37 : memref<64x128xf32, #tpu.memory_space<vmem_shared>>)
        tpu.yield
      }) : () -> ()
    }
    %scan3A_10 = arith.constant 10 : i32
    %barrier3A = arith.constant 0 : index
    tpu.barrier barrier_id(%barrier3A)
    %mul3A_11 = arith.constant 80 : i32
    %mul3A_12 = arith.muli %add3A, %mul3A_11 : i32
    %scan3A_13 = arith.constant 0 : i32
    %scan3A_14 = arith.constant 80 : i32
    %scan3A_15 = arith.addi %scan3A_13, %scan3A_14 : i32
    %scan3A_16 = arith.constant 1 : i32
    scf.for %scan3A_24 = %scan3A_13 to %scan3A_15 step %scan3A_16  : i32 {
      %mul3A_25 = arith.constant 1 : i32
      %mul3A_26 = arith.muli %scan3A_24, %mul3A_25 : i32
      %add3A_27 = arith.constant 0 : i32
      %add3A_28 = arith.addi %add3A_27, %mul3A_26 : i32
      %add3A_29 = arith.addi %mul3A_12, %add3A_28 : i32
      "tpu.region"() ({
        %run_scoped3A_42 = tpu.sem_alloc : memref<!tpu.dma_semaphore, #tpu.memory_space<semaphore_mem>>
        %dma_start3A_43 = arith.constant 0 : i32
        %dma_start3A_44 = arith.constant 0 : i32
        %dma_start3A_45 = tpu.memref_slice %arg3[%add3A_29, %dma_start3A_43, %dma_start3A_44] : memref<2560x2x128xi32, #tpu.memory_space<hbm>> -> memref<1x2x128xi32, #tpu.memory_space<hbm>>
        %dma_start3A_46 = tpu.memref_squeeze %dma_start3A_45 : memref<1x2x128xi32, #tpu.memory_space<hbm>> -> memref<2x128xi32, #tpu.memory_space<hbm>>
        %dma_start3A_47 = arith.constant 0 : i32
        %dma_start3A_48 = arith.constant 0 : i32
        %dma_start3A_49 = tpu.memref_slice %arg3[%add3A_29, %dma_start3A_47, %dma_start3A_48] : memref<2560x2x128xi32, #tpu.memory_space<hbm>> -> memref<1x2x128xi32, #tpu.memory_space<hbm>>
        %dma_start3A_50 = tpu.memref_squeeze %dma_start3A_49 : memref<1x2x128xi32, #tpu.memory_space<hbm>> -> memref<2x128xi32, #tpu.memory_space<hbm>>
        tpu.enqueue_dma source(%dma_start3A_50 : memref<2x128xi32, #tpu.memory_space<hbm>>) target(%arg5 : memref<2x128xi32, #tpu.memory_space<vmem>>) target_semaphore(%run_scoped3A_42 : memref<!tpu.dma_semaphore, #tpu.memory_space<semaphore_mem>>)
        %dma_wait3A_51 = arith.constant 0 : i32
        %dma_wait3A_52 = arith.constant 0 : i32
        %dma_wait3A_53 = tpu.memref_slice %arg3[%add3A_29, %dma_wait3A_51, %dma_wait3A_52] : memref<2560x2x128xi32, #tpu.memory_space<hbm>> -> memref<1x2x128xi32, #tpu.memory_space<hbm>>
        %dma_wait3A_54 = tpu.memref_squeeze %dma_wait3A_53 : memref<1x2x128xi32, #tpu.memory_space<hbm>> -> memref<2x128xi32, #tpu.memory_space<hbm>>
        %dma_wait3A_55 = arith.constant 0 : i32
        %dma_wait3A_56 = arith.constant 0 : i32
        %dma_wait3A_57 = tpu.memref_slice %arg3[%add3A_29, %dma_wait3A_55, %dma_wait3A_56] : memref<2560x2x128xi32, #tpu.memory_space<hbm>> -> memref<1x2x128xi32, #tpu.memory_space<hbm>>
        %dma_wait3A_58 = tpu.memref_squeeze %dma_wait3A_57 : memref<1x2x128xi32, #tpu.memory_space<hbm>> -> memref<2x128xi32, #tpu.memory_space<hbm>>
        tpu.wait_dma2 semaphore(%run_scoped3A_42 : memref<!tpu.dma_semaphore, #tpu.memory_space<semaphore_mem>>) src(%dma_wait3A_58 : memref<2x128xi32, #tpu.memory_space<hbm>>) dst(%arg5 : memref<2x128xi32, #tpu.memory_space<vmem>>)
        tpu.yield
      }) : () -> ()
      %dma_start3A = arith.constant 0 : i32
      %dma_start3A_30 = arith.constant 0 : i32
      %dma_start3A_31 = tpu.memref_slice %arg5[%dma_start3A, %dma_start3A_30] : memref<2x128xi32, #tpu.memory_space<vmem>> -> memref<1x128xi32, #tpu.memory_space<vmem>>
      %dma_start3A_32 = tpu.memref_squeeze %dma_start3A_31 : memref<1x128xi32, #tpu.memory_space<vmem>> -> memref<128xi32, #tpu.memory_space<vmem>>
      %dma_start3A_33 = arith.constant 0 : i32
      %dma_start3A_34 = arith.constant 0 : i32
      %dma_start3A_35 = tpu.memref_slice %arg2[%dma_start3A_33, %dma_start3A_34] : memref<10000x128xf32, #tpu.memory_space<hbm>> -> memref<10000x128xf32, #tpu.memory_space<hbm>>
      tpu.enqueue_indirect_dma source(%dma_start3A_35 : memref<10000x128xf32, #tpu.memory_space<hbm>>) target(%arg6 : memref<128x128xf32, #tpu.memory_space<vmem>>) offsets(%dma_start3A_32 : memref<128xi32, #tpu.memory_space<vmem>>) semaphore(%arg9 : memref<!tpu.dma_semaphore, #tpu.memory_space<semaphore_mem>>)
      %dma_wait3A = arith.constant 0 : i32
      %dma_wait3A_36 = arith.constant 0 : i32
      %dma_wait3A_37 = tpu.memref_slice %arg5[%dma_wait3A, %dma_wait3A_36] : memref<2x128xi32, #tpu.memory_space<vmem>> -> memref<1x128xi32, #tpu.memory_space<vmem>>
      %dma_wait3A_38 = tpu.memref_squeeze %dma_wait3A_37 : memref<1x128xi32, #tpu.memory_space<vmem>> -> memref<128xi32, #tpu.memory_space<vmem>>
      %dma_wait3A_39 = arith.constant 0 : i32
      %dma_wait3A_40 = arith.constant 0 : i32
      %dma_wait3A_41 = tpu.memref_slice %arg2[%dma_wait3A_39, %dma_wait3A_40] : memref<10000x128xf32, #tpu.memory_space<hbm>> -> memref<10000x128xf32, #tpu.memory_space<hbm>>
      tpu.wait_indirect_dma semaphore(%arg9 : memref<!tpu.dma_semaphore, #tpu.memory_space<semaphore_mem>>) src(%dma_wait3A_41 : memref<10000x128xf32, #tpu.memory_space<hbm>>) dst(%arg6 : memref<128x128xf32, #tpu.memory_space<vmem>>)
      %run_scoped3A = arith.constant 1 : i32
      "tpu.region"() ({
        %run_scoped3A_42 = tpu.sem_alloc : memref<!tpu.dma_semaphore, #tpu.memory_space<semaphore_mem>>
        %dma_start3A_43 = arith.constant 0 : i32
        %dma_start3A_44 = tpu.memref_slice %arg5[%run_scoped3A, %dma_start3A_43] : memref<2x128xi32, #tpu.memory_space<vmem>> -> memref<1x128xi32, #tpu.memory_space<vmem>>
        %dma_start3A_45 = tpu.memref_squeeze %dma_start3A_44 : memref<1x128xi32, #tpu.memory_space<vmem>> -> memref<128xi32, #tpu.memory_space<vmem>>
        %dma_start3A_46 = arith.constant 0 : i32
        %dma_start3A_47 = arith.constant 0 : i32
        %dma_start3A_48 = tpu.memref_slice %arg8[%dma_start3A_46, %dma_start3A_47] : memref<10240x128xf32, #tpu.memory_space<vmem_shared>> -> memref<10240x128xf32, #tpu.memory_space<vmem_shared>>
        tpu.enqueue_indirect_dma source(%arg6 : memref<128x128xf32, #tpu.memory_space<vmem>>) target(%dma_start3A_48 : memref<10240x128xf32, #tpu.memory_space<vmem_shared>>) offsets(%dma_start3A_45 : memref<128xi32, #tpu.memory_space<vmem>>) semaphore(%run_scoped3A_42 : memref<!tpu.dma_semaphore, #tpu.memory_space<semaphore_mem>>) {add = true}
        %dma_wait3A_49 = arith.constant 0 : i32
        %dma_wait3A_50 = tpu.memref_slice %arg5[%run_scoped3A, %dma_wait3A_49] : memref<2x128xi32, #tpu.memory_space<vmem>> -> memref<1x128xi32, #tpu.memory_space<vmem>>
        %dma_wait3A_51 = tpu.memref_squeeze %dma_wait3A_50 : memref<1x128xi32, #tpu.memory_space<vmem>> -> memref<128xi32, #tpu.memory_space<vmem>>
        %dma_wait3A_52 = arith.constant 0 : i32
        %dma_wait3A_53 = arith.constant 0 : i32
        %dma_wait3A_54 = tpu.memref_slice %arg8[%dma_wait3A_52, %dma_wait3A_53] : memref<10240x128xf32, #tpu.memory_space<vmem_shared>> -> memref<10240x128xf32, #tpu.memory_space<vmem_shared>>
        tpu.wait_indirect_dma semaphore(%run_scoped3A_42 : memref<!tpu.dma_semaphore, #tpu.memory_space<semaphore_mem>>) src(%arg6 : memref<128x128xf32, #tpu.memory_space<vmem>>) dst(%dma_wait3A_54 : memref<10240x128xf32, #tpu.memory_space<vmem_shared>>)
        tpu.yield
      }) : () -> ()
    }
    %scan3A_17 = arith.constant 80 : i32
    %barrier3A_18 = arith.constant 0 : index
    tpu.barrier barrier_id(%barrier3A_18)
    %scan3A_19 = arith.constant 0 : i32
    %scan3A_20 = arith.constant 10 : i32
    %scan3A_21 = arith.addi %scan3A_19, %scan3A_20 : i32
    %scan3A_22 = arith.constant 1 : i32
    scf.for %scan3A_24 = %scan3A_19 to %scan3A_21 step %scan3A_22  : i32 {
      %mul3A_25 = arith.constant 64 : i32
      %mul3A_26 = arith.muli %scan3A_24, %mul3A_25 : i32
      %add3A_27 = arith.constant 0 : i32
      %add3A_28 = arith.addi %add3A_27, %mul3A_26 : i32
      %mul3A_29 = arith.constant 640 : i32
      %mul3A_30 = arith.muli %arg1, %mul3A_29 : i32
      %add3A_31 = arith.addi %mul3A_30, %add3A_28 : i32
      "tpu.region"() ({
        %run_scoped3A = tpu.sem_alloc : memref<!tpu.dma_semaphore, #tpu.memory_space<semaphore_mem>>
        %dma_start3A = arith.constant 0 : i32
        %dma_start3A_32 = tpu.memref_slice %arg4[%arg0, %add3A_31, %dma_start3A] : memref<2x10240x128xf32, #tpu.memory_space<hbm>> -> memref<1x64x128xf32, #tpu.memory_space<hbm>>
        %dma_start3A_33 = tpu.memref_squeeze %dma_start3A_32 : memref<1x64x128xf32, #tpu.memory_space<hbm>> -> memref<64x128xf32, #tpu.memory_space<hbm>>
        %dma_start3A_34 = arith.constant 0 : i32
        %dma_start3A_35 = tpu.memref_slice %arg8[%add3A_31, %dma_start3A_34] : memref<10240x128xf32, #tpu.memory_space<vmem_shared>> -> memref<64x128xf32, #tpu.memory_space<vmem_shared>>
        tpu.enqueue_dma source(%dma_start3A_35 : memref<64x128xf32, #tpu.memory_space<vmem_shared>>) target(%dma_start3A_33 : memref<64x128xf32, #tpu.memory_space<hbm>>) target_semaphore(%run_scoped3A : memref<!tpu.dma_semaphore, #tpu.memory_space<semaphore_mem>>)
        %dma_wait3A = arith.constant 0 : i32
        %dma_wait3A_36 = tpu.memref_slice %arg4[%arg0, %add3A_31, %dma_wait3A] : memref<2x10240x128xf32, #tpu.memory_space<hbm>> -> memref<1x64x128xf32, #tpu.memory_space<hbm>>
        %dma_wait3A_37 = tpu.memref_squeeze %dma_wait3A_36 : memref<1x64x128xf32, #tpu.memory_space<hbm>> -> memref<64x128xf32, #tpu.memory_space<hbm>>
        %dma_wait3A_38 = arith.constant 0 : i32
        %dma_wait3A_39 = tpu.memref_slice %arg8[%add3A_31, %dma_wait3A_38] : memref<10240x128xf32, #tpu.memory_space<vmem_shared>> -> memref<64x128xf32, #tpu.memory_space<vmem_shared>>
        tpu.wait_dma2 semaphore(%run_scoped3A : memref<!tpu.dma_semaphore, #tpu.memory_space<semaphore_mem>>) src(%dma_wait3A_39 : memref<64x128xf32, #tpu.memory_space<vmem_shared>>) dst(%dma_wait3A_37 : memref<64x128xf32, #tpu.memory_space<hbm>>)
        tpu.yield
      }) : () -> ()
    }
    %scan3A_23 = arith.constant 10 : i32
    return
  }
}

module attributes {stable_mosaic.version = 14 : i64} {
  func.func @_tc_in_body(%arg0: i32, %arg1: memref<1000x128xf32, #tpu.memory_space<vmem>>, %arg2: memref<128x256xf32, #tpu.memory_space<vmem>>, %arg3: memref<1000x128xf32, #tpu.memory_space<vmem>>, %arg4: memref<1000x128xf32, #tpu.memory_space<vmem>>) attributes {dimension_semantics = [#tpu.dimension_semantics<arbitrary>], iteration_bounds = array<i64: 10>, scalar_prefetch = 0 : i64, scratch_operands = 0 : i64, tpu.core_type = #tpu.core_type<tc>, window_params = [{transform_indices = @transform_0, window_bounds = array<i64: 1000, 128>}, {pipeline_mode = #tpu.pipeline_mode<synchronous>, transform_indices = @transform_1, window_bounds = array<i64: 128, 256>}, {transform_indices = @transform_2, window_bounds = array<i64: 1000, 128>}, {transform_indices = @transform_3, window_bounds = array<i64: 1000, 128>}]} {
    %get3A = arith.constant 0 : index
    %get3A_0 = arith.constant 0 : index
    %get3A_1 = vector.load %arg1[%get3A, %get3A_0] : memref<1000x128xf32, #tpu.memory_space<vmem>>, vector<1000x128xf32>
    %get3A_2 = arith.constant 0 : index
    %get3A_3 = arith.constant 0 : index
    %get3A_4 = vector.load %arg2[%get3A_2, %get3A_3] : memref<128x256xf32, #tpu.memory_space<vmem>>, vector<128x256xf32>
    %dot_general3A = arith.constant dense<0.000000e+00> : vector<1000x256xf32>
    %dot_general3A_5 = tpu.matmul %get3A_1, %get3A_4, %dot_general3A {dimension_numbers = #tpu.dot_dimension_numbers<[1], [0], [0], [1], [0, 0, 1, 1], [], []>, transpose_lhs_hint = false} : vector<1000x128xf32>, vector<128x256xf32>, vector<1000x256xf32> -> vector<1000x256xf32>
    %slice3A = vector.extract_strided_slice %dot_general3A_5 {offsets = [0, 0], sizes = [1000, 128], strides = [1, 1]} : vector<1000x256xf32> to vector<1000x128xf32>
    %swap3A = arith.constant 0 : index
    %swap3A_6 = arith.constant 0 : index
    %swap3A_7 = vector.load %arg3[%swap3A, %swap3A_6] : memref<1000x128xf32, #tpu.memory_space<vmem>>, vector<1000x128xf32>
    tpu.vector_store %arg3[%swap3A, %swap3A_6], %slice3A {strides = array<i32>} : memref<1000x128xf32, #tpu.memory_space<vmem>>, vector<1000x128xf32>,
    %slice3A_8 = vector.extract_strided_slice %dot_general3A_5 {offsets = [0, 128], sizes = [1000, 128], strides = [1, 1]} : vector<1000x256xf32> to vector<1000x128xf32>
    %swap3A_9 = arith.constant 0 : index
    %swap3A_10 = arith.constant 0 : index
    %swap3A_11 = vector.load %arg4[%swap3A_9, %swap3A_10] : memref<1000x128xf32, #tpu.memory_space<vmem>>, vector<1000x128xf32>
    tpu.vector_store %arg4[%swap3A_9, %swap3A_10], %slice3A_8 {strides = array<i32>} : memref<1000x128xf32, #tpu.memory_space<vmem>>, vector<1000x128xf32>,
    return
  }
  func.func @transform_0(%arg0: i32) -> (i32, i32) {
    %c0_i32 = arith.constant 0 : i32
    %c0_i32_0 = arith.constant 0 : i32
    return %arg0, %c0_i32 : i32, i32
  }
  func.func @transform_1(%arg0: i32) -> (i32, i32) {
    %c0_i32 = arith.constant 0 : i32
    %c0_i32_0 = arith.constant 0 : i32
    %c0_i32_1 = arith.constant 0 : i32
    return %c0_i32, %c0_i32_0 : i32, i32
  }
  func.func @transform_2(%arg0: i32) -> (i32, i32) {
    %c0_i32 = arith.constant 0 : i32
    %c0_i32_0 = arith.constant 0 : i32
    return %arg0, %c0_i32 : i32, i32
  }
  func.func @transform_3(%arg0: i32) -> (i32, i32) {
    %c0_i32 = arith.constant 0 : i32
    %c0_i32_0 = arith.constant 0 : i32
    return %arg0, %c0_i32 : i32, i32
  }
}

module attributes {stable_mosaic.version = 14 : i64} {
  func.func @body(%arg0: i32, %arg1: memref<2x1000x128xf32, #tpu.memory_space<vmem>>, %arg2: memref<2x1000x128xf32, #tpu.memory_space<vmem>>, %arg3: memref<1000x128xf32, #tpu.memory_space<vmem>>, %arg4: memref<1x128xf32, #tpu.memory_space<vmem>>, %arg5: memref<128x256xf32, #tpu.memory_space<vmem>>, %arg6: memref<1000x128xf32, #tpu.memory_space<vmem>>, %arg7: memref<1000x128xf32, #tpu.memory_space<vmem>>) attributes {dimension_semantics = [#tpu.dimension_semantics<arbitrary>], iteration_bounds = array<i64: 10>, scalar_prefetch = 0 : i64, scratch_operands = 0 : i64, tpu.core_type = #tpu.core_type<tc>, window_params = [{transform_indices = @transform_0, window_bounds = array<i64: 2, 1000, 128>}, {transform_indices = @transform_1, window_bounds = array<i64: 2, 1000, 128>}, {transform_indices = @transform_2, window_bounds = array<i64: 1000, 128>}, {pipeline_mode = #tpu.pipeline_mode<synchronous>, transform_indices = @transform_3, window_bounds = array<i64: 1, 128>}, {pipeline_mode = #tpu.pipeline_mode<synchronous>, transform_indices = @transform_4, window_bounds = array<i64: 128, 256>}, {transform_indices = @transform_5, window_bounds = array<i64: 1000, 128>}, {transform_indices = @transform_6, window_bounds = array<i64: 1000, 128>}]} {
    %get3A = arith.constant 0 : index
    %get3A_0 = arith.constant 0 : index
    %get3A_1 = arith.constant 0 : index
    %get3A_2 = vector.load %arg1[%get3A, %get3A_0, %get3A_1] : memref<2x1000x128xf32, #tpu.memory_space<vmem>>, vector<1x1000x128xf32>
    %get3A_3 = vector.shape_cast %get3A_2 : vector<1x1000x128xf32> to vector<1000x128xf32>
    %get3A_4 = arith.constant 1 : index
    %get3A_5 = arith.constant 0 : index
    %get3A_6 = arith.constant 0 : index
    %get3A_7 = vector.load %arg1[%get3A_4, %get3A_5, %get3A_6] : memref<2x1000x128xf32, #tpu.memory_space<vmem>>, vector<1x1000x128xf32>
    %get3A_8 = vector.shape_cast %get3A_7 : vector<1x1000x128xf32> to vector<1000x128xf32>
    %add3A = arith.addf %get3A_3, %get3A_8 : vector<1000x128xf32>
    %get3A_9 = arith.constant 0 : index
    %get3A_10 = arith.constant 0 : index
    %get3A_11 = arith.constant 0 : index
    %get3A_12 = vector.load %arg2[%get3A_9, %get3A_10, %get3A_11] : memref<2x1000x128xf32, #tpu.memory_space<vmem>>, vector<1x1000x128xf32>
    %get3A_13 = vector.shape_cast %get3A_12 : vector<1x1000x128xf32> to vector<1000x128xf32>
    %slice3A = vector.extract_strided_slice %get3A_13 {offsets = [0, 0], sizes = [1000, 1], strides = [1, 1]} : vector<1000x128xf32> to vector<1000x1xf32>
    %get3A_14 = arith.constant 1 : index
    %get3A_15 = arith.constant 0 : index
    %get3A_16 = arith.constant 0 : index
    %get3A_17 = vector.load %arg2[%get3A_14, %get3A_15, %get3A_16] : memref<2x1000x128xf32, #tpu.memory_space<vmem>>, vector<1x1000x128xf32>
    %get3A_18 = vector.shape_cast %get3A_17 : vector<1x1000x128xf32> to vector<1000x128xf32>
    %slice3A_19 = vector.extract_strided_slice %get3A_18 {offsets = [0, 0], sizes = [1000, 1], strides = [1, 1]} : vector<1000x128xf32> to vector<1000x1xf32>
    %add3A_20 = arith.addf %slice3A, %slice3A_19 : vector<1000x1xf32>
    %max3A = arith.constant 1.000000e+00 : f32
    %max3A_21 = vector.broadcast %max3A : f32 to vector<1000x1xf32>
    %max3A_22 = arith.maximumf %add3A_20, %max3A_21 : vector<1000x1xf32>
    %div3A = vector.broadcast %max3A_22 : vector<1000x1xf32> to vector<1000x128xf32>
    %div3A_23 = arith.divf %add3A, %div3A : vector<1000x128xf32>
    %get3A_24 = arith.constant 0 : index
    %get3A_25 = arith.constant 0 : index
    %get3A_26 = vector.load %arg3[%get3A_24, %get3A_25] : memref<1000x128xf32, #tpu.memory_space<vmem>>, vector<1000x128xf32>
    %add3A_27 = arith.addf %div3A_23, %get3A_26 : vector<1000x128xf32>
    %get3A_28 = arith.constant 0 : index
    %get3A_29 = arith.constant 0 : index
    %get3A_30 = vector.load %arg4[%get3A_28, %get3A_29] : memref<1x128xf32, #tpu.memory_space<vmem>>, vector<1x128xf32>
    %add3A_31 = vector.broadcast %get3A_30 : vector<1x128xf32> to vector<1000x128xf32>
    %add3A_32 = arith.addf %add3A_27, %add3A_31 : vector<1000x128xf32>
    %max3A_33 = arith.constant 0.000000e+00 : f32
    %max3A_34 = vector.broadcast %max3A_33 : f32 to vector<1000x128xf32>
    %max3A_35 = arith.maximumf %add3A_32, %max3A_34 : vector<1000x128xf32>
    %get3A_36 = arith.constant 0 : index
    %get3A_37 = arith.constant 0 : index
    %get3A_38 = vector.load %arg5[%get3A_36, %get3A_37] : memref<128x256xf32, #tpu.memory_space<vmem>>, vector<128x256xf32>
    %dot_general3A = arith.constant dense<0.000000e+00> : vector<1000x256xf32>
    %dot_general3A_39 = tpu.matmul %max3A_35, %get3A_38, %dot_general3A {dimension_numbers = #tpu.dot_dimension_numbers<[1], [0], [0], [1], [0, 0, 1, 1], [], []>, transpose_lhs_hint = false} : vector<1000x128xf32>, vector<128x256xf32>, vector<1000x256xf32> -> vector<1000x256xf32>
    %slice3A_40 = vector.extract_strided_slice %dot_general3A_39 {offsets = [0, 0], sizes = [1000, 128], strides = [1, 1]} : vector<1000x256xf32> to vector<1000x128xf32>
    %swap3A = arith.constant 0 : index
    %swap3A_41 = arith.constant 0 : index
    %swap3A_42 = vector.load %arg6[%swap3A, %swap3A_41] : memref<1000x128xf32, #tpu.memory_space<vmem>>, vector<1000x128xf32>
    tpu.vector_store %arg6[%swap3A, %swap3A_41], %slice3A_40 {strides = array<i32>} : memref<1000x128xf32, #tpu.memory_space<vmem>>, vector<1000x128xf32>,
    %slice3A_43 = vector.extract_strided_slice %dot_general3A_39 {offsets = [0, 128], sizes = [1000, 128], strides = [1, 1]} : vector<1000x256xf32> to vector<1000x128xf32>
    %swap3A_44 = arith.constant 0 : index
    %swap3A_45 = arith.constant 0 : index
    %swap3A_46 = vector.load %arg7[%swap3A_44, %swap3A_45] : memref<1000x128xf32, #tpu.memory_space<vmem>>, vector<1000x128xf32>
    tpu.vector_store %arg7[%swap3A_44, %swap3A_45], %slice3A_43 {strides = array<i32>} : memref<1000x128xf32, #tpu.memory_space<vmem>>, vector<1000x128xf32>,
    return
  }
  func.func @transform_0(%arg0: i32) -> (i32, i32, i32) {
    %c0_i32 = arith.constant 0 : i32
    %c0_i32_0 = arith.constant 0 : i32
    %c0_i32_1 = arith.constant 0 : i32
    return %c0_i32, %arg0, %c0_i32_0 : i32, i32, i32
  }
  func.func @transform_1(%arg0: i32) -> (i32, i32, i32) {
    %c0_i32 = arith.constant 0 : i32
    %c0_i32_0 = arith.constant 0 : i32
    %c0_i32_1 = arith.constant 0 : i32
    return %c0_i32, %arg0, %c0_i32_0 : i32, i32, i32
  }
  func.func @transform_2(%arg0: i32) -> (i32, i32) {
    %c0_i32 = arith.constant 0 : i32
    %c0_i32_0 = arith.constant 0 : i32
    return %arg0, %c0_i32 : i32, i32
  }
  func.func @transform_3(%arg0: i32) -> (i32, i32) {
    %c0_i32 = arith.constant 0 : i32
    %c0_i32_0 = arith.constant 0 : i32
    %c0_i32_1 = arith.constant 0 : i32
    return %c0_i32, %c0_i32_0 : i32, i32
  }
  func.func @transform_4(%arg0: i32) -> (i32, i32) {
    %c0_i32 = arith.constant 0 : i32
    %c0_i32_0 = arith.constant 0 : i32
    %c0_i32_1 = arith.constant 0 : i32
    return %c0_i32, %c0_i32_0 : i32, i32
  }
  func.func @transform_5(%arg0: i32) -> (i32, i32) {
    %c0_i32 = arith.constant 0 : i32
    %c0_i32_0 = arith.constant 0 : i32
    return %arg0, %c0_i32 : i32, i32
  }
  func.func @transform_6(%arg0: i32) -> (i32, i32) {
    %c0_i32 = arith.constant 0 : i32
    %c0_i32_0 = arith.constant 0 : i32
    return %arg0, %c0_i32 : i32, i32
  }
}

module attributes {stable_mosaic.version = 14 : i64} {
  func.func @body(%arg0: i32, %arg1: memref<2x1000x128xf32, #tpu.memory_space<vmem>>, %arg2: memref<2x1000x128xf32, #tpu.memory_space<vmem>>, %arg3: memref<1000x128xf32, #tpu.memory_space<vmem>>, %arg4: memref<1x128xf32, #tpu.memory_space<vmem>>, %arg5: memref<128x128xf32, #tpu.memory_space<vmem>>, %arg6: memref<1000x128xf32, #tpu.memory_space<vmem>>, %arg7: memref<1000x64xf32, #tpu.memory_space<vmem>>) attributes {dimension_semantics = [#tpu.dimension_semantics<arbitrary>], iteration_bounds = array<i64: 10>, scalar_prefetch = 0 : i64, scratch_operands = 0 : i64, tpu.core_type = #tpu.core_type<tc>, window_params = [{transform_indices = @transform_0, window_bounds = array<i64: 2, 1000, 128>}, {transform_indices = @transform_1, window_bounds = array<i64: 2, 1000, 128>}, {transform_indices = @transform_2, window_bounds = array<i64: 1000, 128>}, {pipeline_mode = #tpu.pipeline_mode<synchronous>, transform_indices = @transform_3, window_bounds = array<i64: 1, 128>}, {pipeline_mode = #tpu.pipeline_mode<synchronous>, transform_indices = @transform_4, window_bounds = array<i64: 128, 128>}, {transform_indices = @transform_5, window_bounds = array<i64: 1000, 128>}, {transform_indices = @transform_6, window_bounds = array<i64: 1000, 64>}]} {
    %get3A = arith.constant 0 : index
    %get3A_0 = arith.constant 0 : index
    %get3A_1 = arith.constant 0 : index
    %get3A_2 = vector.load %arg1[%get3A, %get3A_0, %get3A_1] : memref<2x1000x128xf32, #tpu.memory_space<vmem>>, vector<1x1000x128xf32>
    %get3A_3 = vector.shape_cast %get3A_2 : vector<1x1000x128xf32> to vector<1000x128xf32>
    %get3A_4 = arith.constant 1 : index
    %get3A_5 = arith.constant 0 : index
    %get3A_6 = arith.constant 0 : index
    %get3A_7 = vector.load %arg1[%get3A_4, %get3A_5, %get3A_6] : memref<2x1000x128xf32, #tpu.memory_space<vmem>>, vector<1x1000x128xf32>
    %get3A_8 = vector.shape_cast %get3A_7 : vector<1x1000x128xf32> to vector<1000x128xf32>
    %add3A = arith.addf %get3A_3, %get3A_8 : vector<1000x128xf32>
    %get3A_9 = arith.constant 0 : index
    %get3A_10 = arith.constant 0 : index
    %get3A_11 = arith.constant 0 : index
    %get3A_12 = vector.load %arg2[%get3A_9, %get3A_10, %get3A_11] : memref<2x1000x128xf32, #tpu.memory_space<vmem>>, vector<1x1000x128xf32>
    %get3A_13 = vector.shape_cast %get3A_12 : vector<1x1000x128xf32> to vector<1000x128xf32>
    %slice3A = vector.extract_strided_slice %get3A_13 {offsets = [0, 0], sizes = [1000, 1], strides = [1, 1]} : vector<1000x128xf32> to vector<1000x1xf32>
    %get3A_14 = arith.constant 1 : index
    %get3A_15 = arith.constant 0 : index
    %get3A_16 = arith.constant 0 : index
    %get3A_17 = vector.load %arg2[%get3A_14, %get3A_15, %get3A_16] : memref<2x1000x128xf32, #tpu.memory_space<vmem>>, vector<1x1000x128xf32>
    %get3A_18 = vector.shape_cast %get3A_17 : vector<1x1000x128xf32> to vector<1000x128xf32>
    %slice3A_19 = vector.extract_strided_slice %get3A_18 {offsets = [0, 0], sizes = [1000, 1], strides = [1, 1]} : vector<1000x128xf32> to vector<1000x1xf32>
    %add3A_20 = arith.addf %slice3A, %slice3A_19 : vector<1000x1xf32>
    %max3A = arith.constant 1.000000e+00 : f32
    %max3A_21 = vector.broadcast %max3A : f32 to vector<1000x1xf32>
    %max3A_22 = arith.maximumf %add3A_20, %max3A_21 : vector<1000x1xf32>
    %div3A = vector.broadcast %max3A_22 : vector<1000x1xf32> to vector<1000x128xf32>
    %div3A_23 = arith.divf %add3A, %div3A : vector<1000x128xf32>
    %get3A_24 = arith.constant 0 : index
    %get3A_25 = arith.constant 0 : index
    %get3A_26 = vector.load %arg3[%get3A_24, %get3A_25] : memref<1000x128xf32, #tpu.memory_space<vmem>>, vector<1000x128xf32>
    %add3A_27 = arith.addf %div3A_23, %get3A_26 : vector<1000x128xf32>
    %get3A_28 = arith.constant 0 : index
    %get3A_29 = arith.constant 0 : index
    %get3A_30 = vector.load %arg4[%get3A_28, %get3A_29] : memref<1x128xf32, #tpu.memory_space<vmem>>, vector<1x128xf32>
    %add3A_31 = vector.broadcast %get3A_30 : vector<1x128xf32> to vector<1000x128xf32>
    %add3A_32 = arith.addf %add3A_27, %add3A_31 : vector<1000x128xf32>
    %max3A_33 = arith.constant 0.000000e+00 : f32
    %max3A_34 = vector.broadcast %max3A_33 : f32 to vector<1000x128xf32>
    %max3A_35 = arith.maximumf %add3A_32, %max3A_34 : vector<1000x128xf32>
    %get3A_36 = arith.constant 0 : index
    %get3A_37 = arith.constant 0 : index
    %get3A_38 = vector.load %arg5[%get3A_36, %get3A_37] : memref<128x128xf32, #tpu.memory_space<vmem>>, vector<128x128xf32>
    %dot_general3A = arith.constant dense<0.000000e+00> : vector<1000x128xf32>
    %dot_general3A_39 = tpu.matmul %max3A_35, %get3A_38, %dot_general3A {dimension_numbers = #tpu.dot_dimension_numbers<[1], [0], [0], [1], [0, 0, 1, 1], [], []>, transpose_lhs_hint = false} : vector<1000x128xf32>, vector<128x128xf32>, vector<1000x128xf32> -> vector<1000x128xf32>
    %slice3A_40 = vector.extract_strided_slice %dot_general3A_39 {offsets = [0, 0], sizes = [1000, 64], strides = [1, 1]} : vector<1000x128xf32> to vector<1000x64xf32>
    %broadcast_in_dim3A = arith.constant 0.000000e+00 : f32
    %broadcast_in_dim3A_41 = vector.broadcast %broadcast_in_dim3A : f32 to vector<1000x64xf32>
    %concatenate3A = tpu.concatenate %slice3A_40, %broadcast_in_dim3A_41 in 1 : vector<1000x64xf32>, vector<1000x64xf32> -> vector<1000x128xf32>
    %swap3A = arith.constant 0 : index
    %swap3A_42 = arith.constant 0 : index
    %swap3A_43 = vector.load %arg6[%swap3A, %swap3A_42] : memref<1000x128xf32, #tpu.memory_space<vmem>>, vector<1000x128xf32>
    tpu.vector_store %arg6[%swap3A, %swap3A_42], %concatenate3A {strides = array<i32>} : memref<1000x128xf32, #tpu.memory_space<vmem>>, vector<1000x128xf32>,
    %slice3A_44 = vector.extract_strided_slice %dot_general3A_39 {offsets = [0, 64], sizes = [1000, 64], strides = [1, 1]} : vector<1000x128xf32> to vector<1000x64xf32>
    %swap3A_45 = arith.constant 0 : index
    %swap3A_46 = arith.constant 0 : index
    %swap3A_47 = vector.load %arg7[%swap3A_45, %swap3A_46] : memref<1000x64xf32, #tpu.memory_space<vmem>>, vector<1000x64xf32>
    tpu.vector_store %arg7[%swap3A_45, %swap3A_46], %slice3A_44 {strides = array<i32>} : memref<1000x64xf32, #tpu.memory_space<vmem>>, vector<1000x64xf32>,
    return
  }
  func.func @transform_0(%arg0: i32) -> (i32, i32, i32) {
    %c0_i32 = arith.constant 0 : i32
    %c0_i32_0 = arith.constant 0 : i32
    %c0_i32_1 = arith.constant 0 : i32
    return %c0_i32, %arg0, %c0_i32_0 : i32, i32, i32
  }
  func.func @transform_1(%arg0: i32) -> (i32, i32, i32) {
    %c0_i32 = arith.constant 0 : i32
    %c0_i32_0 = arith.constant 0 : i32
    %c0_i32_1 = arith.constant 0 : i32
    return %c0_i32, %arg0, %c0_i32_0 : i32, i32, i32
  }
  func.func @transform_2(%arg0: i32) -> (i32, i32) {
    %c0_i32 = arith.constant 0 : i32
    %c0_i32_0 = arith.constant 0 : i32
    return %arg0, %c0_i32 : i32, i32
  }
  func.func @transform_3(%arg0: i32) -> (i32, i32) {
    %c0_i32 = arith.constant 0 : i32
    %c0_i32_0 = arith.constant 0 : i32
    %c0_i32_1 = arith.constant 0 : i32
    return %c0_i32, %c0_i32_0 : i32, i32
  }
  func.func @transform_4(%arg0: i32) -> (i32, i32) {
    %c0_i32 = arith.constant 0 : i32
    %c0_i32_0 = arith.constant 0 : i32
    %c0_i32_1 = arith.constant 0 : i32
    return %c0_i32, %c0_i32_0 : i32, i32
  }
  func.func @transform_5(%arg0: i32) -> (i32, i32) {
    %c0_i32 = arith.constant 0 : i32
    %c0_i32_0 = arith.constant 0 : i32
    return %arg0, %c0_i32 : i32, i32
  }
  func.func @transform_6(%arg0: i32) -> (i32, i32) {
    %c0_i32 = arith.constant 0 : i32
    %c0_i32_0 = arith.constant 0 : i32
    return %arg0, %c0_i32 : i32, i32
  }
}

module attributes {stable_mosaic.version = 14 : i64} {
  func.func @_tc_fin_body(%arg0: i32, %arg1: memref<2x1000x128xf32, #tpu.memory_space<vmem>>, %arg2: memref<2x1000x128xf32, #tpu.memory_space<vmem>>, %arg3: memref<1000x64xf32, #tpu.memory_space<vmem>>, %arg4: memref<1x64xf32, #tpu.memory_space<vmem>>, %arg5: memref<1000x64xf32, #tpu.memory_space<vmem>>) attributes {dimension_semantics = [#tpu.dimension_semantics<arbitrary>], iteration_bounds = array<i64: 10>, scalar_prefetch = 0 : i64, scratch_operands = 0 : i64, tpu.core_type = #tpu.core_type<tc>, window_params = [{transform_indices = @transform_0, window_bounds = array<i64: 2, 1000, 128>}, {transform_indices = @transform_1, window_bounds = array<i64: 2, 1000, 128>}, {transform_indices = @transform_2, window_bounds = array<i64: 1000, 64>}, {pipeline_mode = #tpu.pipeline_mode<synchronous>, transform_indices = @transform_3, window_bounds = array<i64: 1, 64>}, {transform_indices = @transform_4, window_bounds = array<i64: 1000, 64>}]} {
    %get3A = arith.constant 0 : index
    %get3A_0 = arith.constant 0 : index
    %get3A_1 = arith.constant 0 : index
    %get3A_2 = vector.load %arg1[%get3A, %get3A_0, %get3A_1] : memref<2x1000x128xf32, #tpu.memory_space<vmem>>, vector<1x1000x128xf32>
    %get3A_3 = vector.shape_cast %get3A_2 : vector<1x1000x128xf32> to vector<1000x128xf32>
    %get3A_4 = arith.constant 1 : index
    %get3A_5 = arith.constant 0 : index
    %get3A_6 = arith.constant 0 : index
    %get3A_7 = vector.load %arg1[%get3A_4, %get3A_5, %get3A_6] : memref<2x1000x128xf32, #tpu.memory_space<vmem>>, vector<1x1000x128xf32>
    %get3A_8 = vector.shape_cast %get3A_7 : vector<1x1000x128xf32> to vector<1000x128xf32>
    %add3A = arith.addf %get3A_3, %get3A_8 : vector<1000x128xf32>
    %get3A_9 = arith.constant 0 : index
    %get3A_10 = arith.constant 0 : index
    %get3A_11 = arith.constant 0 : index
    %get3A_12 = vector.load %arg2[%get3A_9, %get3A_10, %get3A_11] : memref<2x1000x128xf32, #tpu.memory_space<vmem>>, vector<1x1000x128xf32>
    %get3A_13 = vector.shape_cast %get3A_12 : vector<1x1000x128xf32> to vector<1000x128xf32>
    %slice3A = vector.extract_strided_slice %get3A_13 {offsets = [0, 0], sizes = [1000, 1], strides = [1, 1]} : vector<1000x128xf32> to vector<1000x1xf32>
    %get3A_14 = arith.constant 1 : index
    %get3A_15 = arith.constant 0 : index
    %get3A_16 = arith.constant 0 : index
    %get3A_17 = vector.load %arg2[%get3A_14, %get3A_15, %get3A_16] : memref<2x1000x128xf32, #tpu.memory_space<vmem>>, vector<1x1000x128xf32>
    %get3A_18 = vector.shape_cast %get3A_17 : vector<1x1000x128xf32> to vector<1000x128xf32>
    %slice3A_19 = vector.extract_strided_slice %get3A_18 {offsets = [0, 0], sizes = [1000, 1], strides = [1, 1]} : vector<1000x128xf32> to vector<1000x1xf32>
    %add3A_20 = arith.addf %slice3A, %slice3A_19 : vector<1000x1xf32>
    %max3A = arith.constant 1.000000e+00 : f32
    %max3A_21 = vector.broadcast %max3A : f32 to vector<1000x1xf32>
    %max3A_22 = arith.maximumf %add3A_20, %max3A_21 : vector<1000x1xf32>
    %div3A = vector.broadcast %max3A_22 : vector<1000x1xf32> to vector<1000x128xf32>
    %div3A_23 = arith.divf %add3A, %div3A : vector<1000x128xf32>
    %slice3A_24 = vector.extract_strided_slice %div3A_23 {offsets = [0, 0], sizes = [1000, 64], strides = [1, 1]} : vector<1000x128xf32> to vector<1000x64xf32>
    %get3A_25 = arith.constant 0 : index
    %get3A_26 = arith.constant 0 : index
    %get3A_27 = vector.load %arg3[%get3A_25, %get3A_26] : memref<1000x64xf32, #tpu.memory_space<vmem>>, vector<1000x64xf32>
    %add3A_28 = arith.addf %slice3A_24, %get3A_27 : vector<1000x64xf32>
    %get3A_29 = arith.constant 0 : index
    %get3A_30 = arith.constant 0 : index
    %get3A_31 = vector.load %arg4[%get3A_29, %get3A_30] : memref<1x64xf32, #tpu.memory_space<vmem>>, vector<1x64xf32>
    %add3A_32 = vector.broadcast %get3A_31 : vector<1x64xf32> to vector<1000x64xf32>
    %add3A_33 = arith.addf %add3A_28, %add3A_32 : vector<1000x64xf32>
    %iota3A = tpu.iota {dimensions = array<i32: 1>} : vector<1000x64xi32>
    %lt3A = arith.constant 47 : i32
    %lt3A_34 = vector.broadcast %lt3A : i32 to vector<1000x64xi32>
    %lt3A_35 = arith.cmpi slt, %iota3A, %lt3A_34 : vector<1000x64xi32>
    %jit3A = arith.constant -3.000000e+38 : f32
    %broadcast_in_dim3A = vector.broadcast %jit3A : f32 to vector<1000x64xf32>
    %select_n3A = arith.select %lt3A_35, %add3A_33, %broadcast_in_dim3A : vector<1000x64xi1>, vector<1000x64xf32>
    %reduce_max3A = arith.constant dense<0xFF800000> : vector<1000xf32>
    %reduce_max3A_36 = vector.multi_reduction <maximumf>, %select_n3A, %reduce_max3A [1] : vector<1000x64xf32> to vector<1000xf32>
    %broadcast_in_dim3A_37 = vector.shape_cast %reduce_max3A_36 : vector<1000xf32> to vector<1000x1xf32>
    %sub3A = vector.broadcast %broadcast_in_dim3A_37 : vector<1000x1xf32> to vector<1000x64xf32>
    %sub3A_38 = arith.subf %select_n3A, %sub3A : vector<1000x64xf32>
    %exp3A = math.exp %sub3A_38 : vector<1000x64xf32>
    %reduce_sum3A = arith.constant dense<0.000000e+00> : vector<1000xf32>
    %reduce_sum3A_39 = vector.multi_reduction <add>, %exp3A, %reduce_sum3A [1] : vector<1000x64xf32> to vector<1000xf32>
    %broadcast_in_dim3A_40 = vector.shape_cast %reduce_sum3A_39 : vector<1000xf32> to vector<1000x1xf32>
    %log3A = math.log %broadcast_in_dim3A_40 : vector<1000x1xf32>
    %add3A_41 = arith.addf %log3A, %broadcast_in_dim3A_37 : vector<1000x1xf32>
    %sub3A_42 = vector.broadcast %add3A_41 : vector<1000x1xf32> to vector<1000x64xf32>
    %sub3A_43 = arith.subf %add3A_33, %sub3A_42 : vector<1000x64xf32>
    %swap3A = arith.constant 0 : index
    %swap3A_44 = arith.constant 0 : index
    %swap3A_45 = vector.load %arg5[%swap3A, %swap3A_44] : memref<1000x64xf32, #tpu.memory_space<vmem>>, vector<1000x64xf32>
    tpu.vector_store %arg5[%swap3A, %swap3A_44], %sub3A_43 {strides = array<i32>} : memref<1000x64xf32, #tpu.memory_space<vmem>>, vector<1000x64xf32>,
    return
  }
  func.func @transform_0(%arg0: i32) -> (i32, i32, i32) {
    %c0_i32 = arith.constant 0 : i32
    %c0_i32_0 = arith.constant 0 : i32
    %c0_i32_1 = arith.constant 0 : i32
    return %c0_i32, %arg0, %c0_i32_0 : i32, i32, i32
  }
  func.func @transform_1(%arg0: i32) -> (i32, i32, i32) {
    %c0_i32 = arith.constant 0 : i32
    %c0_i32_0 = arith.constant 0 : i32
    %c0_i32_1 = arith.constant 0 : i32
    return %c0_i32, %arg0, %c0_i32_0 : i32, i32, i32
  }
  func.func @transform_2(%arg0: i32) -> (i32, i32) {
    %c0_i32 = arith.constant 0 : i32
    %c0_i32_0 = arith.constant 0 : i32
    return %arg0, %c0_i32 : i32, i32
  }
  func.func @transform_3(%arg0: i32) -> (i32, i32) {
    %c0_i32 = arith.constant 0 : i32
    %c0_i32_0 = arith.constant 0 : i32
    %c0_i32_1 = arith.constant 0 : i32
    return %c0_i32, %c0_i32_0 : i32, i32
  }
  func.func @transform_4(%arg0: i32) -> (i32, i32) {
    %c0_i32 = arith.constant 0 : i32
    %c0_i32_0 = arith.constant 0 : i32
    return %arg0, %c0_i32 : i32, i32
  }
}

</mosaic_0001>

<sc_bundles>
// kernel: kernel.10.cloned.1.call-start
scs
__scs_entry_jumppad:
0x0: {  	(pc) =	sbr.rel $0x88, $3  }
0x1: {  	(tag) =	ssettag $0x0;
	lr =	simm.s32 $0x1  }
0x2: {  	[smem:$0x3F96] =	sst lr;
	_ =	strace $0xD0000000  }
0x3: {  	_ = 	snop  }
0x4: {  	_ = 	snop  }
0x5: {  	_ = 	snop  }
0x6: {  	_ = 	snop  }
0x7: {  	_ = 	snop  }
__scs_overlays_trampoline_lowered:
0x8: {  	[smem:$0x3FA5] =	sst s0  }
0x9: {  	[smem:$0x3FA6] =	sst s1  }
0xa: {  	[smem:$0x3FA7] =	sst s2  }
0xb: {  	[smem:$0x3FA8] =	sst s3  }
0xc: {  	[smem:$0x3FA9] =	sst s4  }
0xd: {  	[smem:$0x3FAA] =	sst s5  }
0xe: {  	[smem:$0x3FAB] =	sst s6  }
0xf: {  	[smem:$0x3FAC] =	sst s7  }
0x10: {  	[smem:$0x3FAD] =	sst s8  }
0x11: {  	[smem:$0x3FAE] =	sst s9;
	s0 =	simm.s32 @!p0 $0x0  }
0x12: {  	s1 =	sld [smem:$0x3F94];
	s0 =	simm.s32 @p0 $0x1  }
0x13: {  	[smem:$0x3FAF] =	sst s0;
	s0 =	simm.s32 @!p1 $0x0  }
0x14: {  	s2 =	sld [smem:$0x3F93];
	s0 =	simm.s32 @p1 $0x1  }
0x15: {  	[smem:$0x3FB0] =	sst s0;
	s0 =	simm.s32 @!p2 $0x0  }
0x16: {  	s3 =	sld [smem:$0x3FDB];
	s0 =	simm.s32 @p2 $0x1  }
0x17: {  	s4 =	simm.s32 $0x1BF5;
	[smem:$0x3FB2] =	sst s0  }
0x18: {  	s0 =	sld [smem:$0x3F95];
	_ =	swait.ge [sflag:s4], $0x0  }
0x19: {  	s7 =	sld [smem:$0x3F96]  }
0x1a: {  	s8 =	sadd.s32 $0xFFFFE003, lr  }
0x1b: {  	s9 =	sadd.s32 $0xFFFFFEF7, lr;
	s5 =	simm.s32 $0xFFFFFFFF;
	p2 =	slt.u32 s8, $0xFFFFF086  }
0x1c: {  	p1 =	slt.u32 s9, $0xF7A;
	s5 =	simm.s32 @!p2 $0x0  }
0x1d: {  	s5 =	simm.s32 @p1 $0x1;
	p0 =	seq.s32 s7, s2  }
0x1e: {  	s7 =	smul.u32 @!p0 $0xF7A, s2;
	p2 =	seq.s32 @!p0 s5, $0x0  }
0x1f: {  	s9 =	smul.u32 $0xF7A, s1;
	s8 =	simm.s32 @!p0 $0x1BF5;
	p2 =	por !p2, p0  }
0x20: {  	[sflag:s8] =	ssyncset.s32 @!p0 $0xFFFFF086;
	s6 =	sadd.s32 @!p0 s3, s7;
	s7 =	simm.s32 @!p0 $0x108  }
0x21: {  	s3 =	sadd.s32 s3, s9;
	s6 =	sadd.s32 @!p0 $0x88, s6;
	s7 =	simm.s32 @p2 $0x1082  }
0x22: {  	[simem:s7], [sflag:s8] =	dma.local @!p0 [hbm:s6], $0xF7A  }
0x23: {  	s9 =	sor.u32 $0xD0000000, s2;
	s6 =	simm.s32 $0x108;
	_ =	swait.ge @!p0 [sflag:s8], $0x0  }
0x24: {  	s3 =	sadd.s32 $0x88, s3;
	s6 =	simm.s32 @!p1 $0x1082;
	[sflag:s4] =	ssyncset.s32 $0xFFFFF086  }
0x25: {  	[simem:s6], [sflag:s4] =	dma.local [hbm:s3], $0xF7A  }
0x26: {  	[smem:$0x3F96] =	sst s1;
	(tag) =	ssettag s2;
	_ =	strace s9  }
0x27: {  	s1 =	sld [smem:$0x3FA6]  }
0x28: {  	s2 =	sld [smem:$0x3FA7]  }
0x29: {  	s4 =	sld [smem:$0x3FA9]  }
0x2a: {  	p0 =	seq.s32 s5, $0x0;
	s5 =	sld [smem:$0x3FAA]  }
0x2b: {  	s6 =	sld [smem:$0x3FAB]  }
0x2c: {  	s7 =	sld [smem:$0x3FAC]  }
0x2d: {  	s3 =	simm.s32 $0x108;
	s8 =	sld [smem:$0x3FAD]  }
0x2e: {  	s3 =	simm.s32 @!p0 $0x1082;
	s9 =	sld [smem:$0x3FAE]  }
0x2f: {  	lr =	sadd.s32 s0, s3;
	s0 =	sld [smem:$0x3FA5]  }
0x30: {  	s3 =	sld [smem:$0x3FA8]  }
0x31: {  	[smem:$0x3FB1] =	sst s10  }
0x32: {  	s10 =	sld [smem:$0x3FAF];
	_ =	sdelay $0x3  }
0x33: {  	p0 =	seq.s32 s10, $0x1;
	s10 =	sld [smem:$0x3FB1];
	_ =	sdelay $0x3  }
0x34: {  	[smem:$0x3FB1] =	sst s10  }
0x35: {  	s10 =	sld [smem:$0x3FB0];
	_ =	sdelay $0x3  }
0x36: {  	p1 =	seq.s32 s10, $0x1;
	s10 =	sld [smem:$0x3FB1];
	_ =	sdelay $0x3  }
0x37: {  	[smem:$0x3FB1] =	sst s10  }
0x38: {  	s10 =	sld [smem:$0x3FB2]  }
0x39: {  	_ = 	snop;
	(pc) =	sbr.ind lr, $3  }
0x3a: {  	_ = 	snop  }
0x3b: {  	_ = 	snop  }
0x3c: {  	p2 =	seq.s32 s10, $0x1;
	s10 =	sld [smem:$0x3FB1]  }
0x3d: {  	_ =	shalt  }
0x3e: {  	_ =	shalt  }
0x3f: {  	_ =	shalt  }
0x40: {  	_ =	shalt  }
0x41: {  	_ =	shalt  }
0x42: {  	_ =	shalt  }
0x43: {  	_ =	shalt  }
0x44: {  	_ =	shalt  }
0x45: {  	_ =	shalt  }
0x46: {  	_ =	shalt  }
0x47: {  	_ =	shalt  }
0x48: {  	_ =	shalt  }
0x49: {  	_ =	shalt  }
0x4a: {  	_ =	shalt  }
0x4b: {  	_ =	shalt  }
0x4c: {  	_ =	shalt  }
0x4d: {  	_ =	shalt  }
0x4e: {  	_ =	shalt  }
0x4f: {  	_ =	shalt  }
0x50: {  	_ =	shalt  }
0x51: {  	_ =	shalt  }
0x52: {  	_ =	shalt  }
0x53: {  	_ =	shalt  }
0x54: {  	_ =	shalt  }
0x55: {  	_ =	shalt  }
0x56: {  	_ =	shalt  }
0x57: {  	_ =	shalt  }
0x58: {  	_ =	shalt  }
0x59: {  	_ =	shalt  }
0x5a: {  	_ =	shalt  }
0x5b: {  	_ =	shalt  }
0x5c: {  	_ =	shalt  }
0x5d: {  	_ =	shalt  }
0x5e: {  	_ =	shalt  }
0x5f: {  	_ =	shalt  }
0x60: {  	_ =	shalt  }
0x61: {  	_ =	shalt  }
0x62: {  	_ =	shalt  }
0x63: {  	_ =	shalt  }
0x64: {  	_ =	shalt  }
0x65: {  	_ =	shalt  }
0x66: {  	_ =	shalt  }
0x67: {  	_ =	shalt  }
0x68: {  	_ =	shalt  }
0x69: {  	_ =	shalt  }
0x6a: {  	_ =	shalt  }
0x6b: {  	_ =	shalt  }
0x6c: {  	_ =	shalt  }
0x6d: {  	_ =	shalt  }
0x6e: {  	_ =	shalt  }
0x6f: {  	_ =	shalt  }
0x70: {  	_ =	shalt  }
0x71: {  	_ =	shalt  }
0x72: {  	_ =	shalt  }
0x73: {  	_ =	shalt  }
0x74: {  	_ =	shalt  }
0x75: {  	_ =	shalt  }
0x76: {  	_ =	shalt  }
0x77: {  	_ =	shalt  }
0x78: {  	_ =	shalt  }
0x79: {  	_ =	shalt  }
0x7a: {  	_ =	shalt  }
0x7b: {  	_ =	shalt  }
0x7c: {  	_ =	shalt  }
0x7d: {  	_ =	shalt  }
0x7e: {  	_ =	shalt  }
0x7f: {  	_ =	shalt  }
0x80: {  	_ =	shalt  }
0x81: {  	_ =	shalt  }
0x82: {  	_ =	shalt  }
0x83: {  	_ =	shalt  }
0x84: {  	_ =	shalt  }
0x85: {  	_ =	shalt  }
0x86: {  	_ =	shalt  }
0x87: {  	_ =	shalt  }
.Lfunc_end0:
.L_simem_size_0:
called_computation_lowered:
.L_overlay_start_0:
0x88: {  	s2 =	sld [smem:$0x3FD9]  }
0x89: {  	s3 =	sld [smem:$0x3FFE];
	_ =	sdelay $0x1  }
0x8a: {  	s1 =	srdreg.scid  }
0x8b: {  	s0 =	sand.u32 $0x1, s1  }
0x8c: {  	s16 =	sshll.u32 s0, $0xA;
	s2 =	sadd.s32 s3, s2  }
0x8d: {  	s2 =	sadd.s32 s2, s16  }
0x8e: {  	[smem:$0x3FBD] =	sst s2  }
0x8f: {  	_ = 	snop  }
0x90: {  	(tm) =	ssettm $0x1  }
0x91: {  	s17 =	sld [smem:$0x3FFB];
	_ =	sdelay $0x3  }
0x92: {  	_ =	strace s17  }
0x93: {  	s2 =	sld [smem:$0x3FFC];
	_ =	sdelay $0x3  }
0x94: {  	_ =	strace s2  }
0x95: {  	s2 =	sld [smem:$0x3FFD];
	_ =	sdelay $0x3  }
0x96: {  	_ =	strace s2  }
0x97: {  	_ =	strace $0x8FFFFFFF  }
0x98: {  	s18 =	sld [smem:$0x3FDB];
	_ =	sdelay $0x1  }
0x99: {  	s19 =	simm.s32 $_scs_section_size  }
0x9a: {  	s4 =	simm.s32 $_size__tile_overlayer_lowered;
	s5 =	simm.s32 $_tile_overlayer_lowered  }
0x9b: {  	s22 =	simm.s32 $0x1BFF;
	s21 =	sshll.u32 s5, $0x1;
	s2 =	sadd.s32 s19, s18  }
0x9c: {  	s6 =	simm.s32 $0x0;
	s20 =	sshll.u32 s4, $0x1;
	s4 =	sadd.s32 s21, s2  }
0x9d: {  	[timem:s6], [sflag:s22] =	dma.local [hbm:s4], s20  }
0x9e: {  	_ =	swait.ge [sflag:s22], s20  }
0x9f: {  	s3 =	ssub.s32 $0x0, s20;
	[sflag:s22] =	ssyncset.done $0x0  }
0xa0: {  	[sflag:s22] =	ssyncadd.s32 s3;
	_ =	sdelay $0x1  }
0xa1: {  	s23 =	simm.s32 $0x1B8B  }
0xa2: {  	_ =	swait.ge [sflag:s23], $0x1  }
0xa3: {  	[sflag:s23] =	ssyncset.done $0x0  }
0xa4: {  	s25 =	simm.s32 $0x1B8E;
	s24 =	sld [smem:$0x3FFE];
	[sflag:s23] =	ssyncadd.s32 $0xFFFFFFFF  }
0xa5: {  	s26 =	simm.s32 $execute0_lowered;
	[smem:$0x3FD2] =	sst s25  }
0xa6: {  	s4 =	sshll.u32 s26, $0x1;
	_ =	strace $0x80000046;
	[dreg:$0x1] =	wrdreg $0xFFFFFFFF  }
0xa7: {  	s28 =	simm.s32 $_size_execute0_lowered;
	s2 =	sadd.s32 s2, s4;
	[dreg:$0x0] =	wrdreg $0x0  }
0xa8: {  	s4 =	sshll.u32 s28, $0x1;
	[dreg:$0x2] =	wrdreg s2  }
0xa9: {  	[dreg:$0x3] =	wrdreg s4  }
0xaa: {  	[dreg:$0x4] =	wrdreg $0xC0  }
0xab: {  	_ =	task [dreg:s6], $0x5FFFF  }
0xac: {  	[dreg:$0x1] =	wrdreg $0xFFFFFFFF  }
0xad: {  	[dreg:$0x0] =	wrdreg $0x60  }
0xae: {  	[dreg:$0x2] =	wrdreg s24  }
0xaf: {  	[dreg:$0x3] =	wrdreg $0x61000  }
0xb0: {  	[dreg:$0x4] =	wrdreg $0x9  }
0xb1: {  	_ =	task.clear_ibuf [dreg:s6], $0x5FFFF;
	_ =	strace $0x90000046  }
0xb2: {  	s29 =	simm.s32 $0x9;
	_ =	strace $0x80000048  }
0xb3: {  	_ =	swait.ge [sflag:s29], $0x1  }
0xb4: {  	[sflag:s29] =	ssyncadd.s32 $0xFFFFFFFF  }
0xb5: {  	_ =	strace $0x90000048  }
0xb6: {  	_ =	sfence  }
0xb7: {  	s30 =	sld [smem:$0x0];
	_ =	sdelay $0x2  }
0xb8: {  	s31 =	sshll.u32 s1, $0xD;
	s1 =	sshrl.u32 s1, $0x2  }
0xb9: {  	s3 =	sand.u32 $0x4000, s31;
	s1 =	sadd.s32 s1, s30  }
0xba: {  	s0 =	sor.u32 s3, s0;
	s1 =	sshll.u32 s1, $0x11  }
0xbb: {  	s0 =	sor.u32 s1, s0  }
0xbc: {  	s0 =	sadd.s32 $0x8F2B, s0  }
0xbd: {  	[sflag:s0] =	ssyncadd.remote.s32 $0x1  }
0xbe: {  	_ =	sfence.sel $0xFFFF  }
0xbf: {  	[dreg:$0x0] =	wrdreg $0xFFFFFFFF;
	(pc) =	sbr.abs _section_cstart, $3  }
0xc0: {  	[dreg:$0x1] =	wrdreg $0xFFFFFFFF  }
0xc1: {  	_ =	task.clear_ibuf [dreg:s6], $0x2FFFF;
	_ =	strace $0x9FFFFFFF  }
0xc2: {  	(tm) =	ssettm $0x7FFFFFFF  }
0xc3: {  	_ =	shalt  }
tec
execute0_lowered:
.L_overlay_start_1:
0x0: {  	(tag) =	ssettag $0x1  }
0x1: {  	s8 =	stileid.u32;
	s0 =	srdreg.scid  }
0x2: {  	s4 =	rddreg [dreg:$0x0];
	s2 =	smul.u32 $0x1400, s8  }
0x3: {  	s1 =	rddreg [dreg:$0x1];
	s6 =	smul.u32 $0x14000, s8  }
0x4: {  	s13 =	simm.s32 $0x0;
	s0 =	sand.u32 $0x1, s0;
	s8 =	smul.u32 $0x50000, s8  }
0x5: {  	[smem:$0x7FF] =	sst s13;
	s3 =	smul.u32 $0x140000, s0;
	s5 =	ssub.s32 $0x2, s0  }
0x6: {  	s0 =	smul.u32 $0xA00, s0;
	s2 =	sadd.s32 s2, s4;
	s7 =	sshrl.u32 s5, $0x1  }
0x7: {  	s4 =	sadd.s32 $0x17200, s4;
	s9 =	sor.u32 $0x2000, s6;
	s10 =	sadd.s32 $0x4000, s6  }
0x8: {  	s5 =	ssub.s32 s5, s7;
	s15 =	sadd.s32 s3, s6;
	s16 =	sadd.s32 s3, s9  }
0x9: {  	s11 =	sadd.s32 s3, s10;
	s0 =	sadd.s32 s0, s2;
	s7 =	sshrl.u32 s15, $0x3  }
0xa: {  	s17 =	sshrl.u32 s11, $0x3;
	s11 =	sadd.s32 $0x8000, s6;
	s7 =	sadd.s32 s4, s7  }
0xb: {  	s15 =	sadd.s32 s10, s1;
	[dreg:$0x3] =	wrdreg s7;
	s7 =	sshrl.u32 s16, $0x3  }
0xc: {  	s20 =	sadd.s32 s3, s11;
	s16 =	sadd.s32 $0x6000, s6;
	s7 =	sadd.s32 s4, s7  }
0xd: {  	s18 =	sadd.s32 s3, s16;
	[dreg:$0x4] =	wrdreg s7;
	s7 =	sadd.s32 s4, s17  }
0xe: {  	s19 =	sshrl.u32 s18, $0x3;
	s17 =	sadd.s32 $0xA000, s6;
	s18 =	sadd.s32 $0xC000, s6  }
0xf: {  	[dreg:$0x5] =	wrdreg s7;
	s7 =	sadd.s32 s4, s19;
	s12 =	sadd.s32 s3, s17  }
0x10: {  	s22 =	sadd.s32 s3, s18;
	s19 =	sadd.s32 $0xE000, s6;
	[dreg:$0x6] =	wrdreg s7  }
0x11: {  	s7 =	sshrl.u32 s20, $0x3;
	s21 =	sshrl.u32 s12, $0x3;
	s23 =	sshrl.u32 s22, $0x3  }
0x12: {  	s24 =	sadd.s32 s3, s19;
	s20 =	sadd.s32 $0x10000, s6;
	s6 =	sadd.s32 $0x12000, s6  }
0x13: {  	s12 =	sadd.s32 s9, s1;
	s22 =	sadd.s32 s11, s1;
	s7 =	sadd.s32 s4, s7  }
0x14: {  	s25 =	sadd.s32 s3, s20;
	s3 =	sadd.s32 s3, s6;
	s6 =	sadd.s32 s6, s1  }
0x15: {  	[dreg:$0x7] =	wrdreg s7;
	s7 =	sadd.s32 s4, s21;
	s26 =	sshrl.u32 s25, $0x3  }
0x16: {  	s3 =	sshrl.u32 s3, $0x3;
	s21 =	sadd.s32 s16, s1;
	s25 =	sadd.s32 s19, s1  }
0x17: {  	s16 =	sadd.s32 $0x3200, s0;
	[dreg:$0x8] =	wrdreg s7;
	s7 =	sadd.s32 s4, s23  }
0x18: {  	s3 =	sadd.s32 s4, s3;
	s23 =	sadd.s32 s17, s1;
	s17 =	sshrl.u32 s12, $0x3  }
0x19: {  	s19 =	sshrl.u32 s21, $0x3;
	[dreg:$0x9] =	wrdreg s7;
	s7 =	sshrl.u32 s24, $0x3  }
0x1a: {  	[dreg:$0xc] =	wrdreg s3;
	s24 =	sadd.s32 s18, s1;
	s18 =	sshrl.u32 s15, $0x3  }
0x1b: {  	s21 =	sshrl.u32 s23, $0x3;
	s23 =	sshrl.u32 s25, $0x3;
	s7 =	sadd.s32 s4, s7  }
0x1c: {  	s25 =	sshrl.u32 s6, $0x3;
	s6 =	simm.s32 $0x80;
	[dreg:$0xa] =	wrdreg s7  }
0x1d: {  	s7 =	sadd.s32 s4, s26;
	s26 =	sadd.s32 s20, s1;
	s20 =	sshrl.u32 s22, $0x3  }
0x1e: {  	s22 =	sshrl.u32 s24, $0x3;
	s4 =	simm.s32 $0x4100;
	[dreg:$0xb] =	wrdreg s7  }
0x1f: {  	s7 =	sshrl.u32 s8, $0x2;
	s8 =	smax.u32 s5, $0x1;
	s24 =	sshrl.u32 s26, $0x3  }
0x20: {  	s5 =	simm.s32 $0x1;
	_ =	strace $0x80000047;
	s14 =	sadd.s32 s7, s1  }
0x21: {  	[dreg:$0xd] =	wrdreg s8;
	s7 =	simm.s32 $0x100;
	s8 =	simm.s32 $0x0  }
0x22: {  	s26 =	sadd.s32 $0x2000, s14;
	s28 =	sadd.s32 $0x4000, s14;
	s29 =	sadd.s32 $0x6000, s14  }
0x23: {  	s30 =	sadd.s32 $0x8000, s14;
	s31 =	sadd.s32 $0xA000, s14;
	s10 =	sadd.s32 $0xC000, s14  }
0x24: {  	v0 =	vimm.f32 $0.0e+00;
	v1 =	vimm.f32 $1.000000000e+00;
	s0 =	sadd.s32 $0xE000, s14;
	s2 =	sadd.s32 $0x10000, s14;
	s3 =	sadd.s32 $0x12000, s14  }
.LBB2_1:
0x25: {  	s9 =	simm.s32 $0x0;
	s11 =	simm.s32 $0x200  }
.LBB2_2:
0x26: {  	p0 =	sne.s32 s11, $0x7E00;
	[tilespmem:s9+$0x4170] =	vst v0  }
0x27: {  	[tilespmem:s9+$0x4100] =	vst v0  }
0x28: {  	[tilespmem:s9+$0x4110] =	vst v0  }
.Ltmp0:
0x29: {  	[tilespmem:s9+$0x4120] =	vst v0;
	(pc) =	sbr.rel @p0 .LBB2_2-.Ltmp0, $4  }
0x2a: {  	[tilespmem:s9+$0x4130] =	vst v0  }
0x2b: {  	[tilespmem:s9+$0x4140] =	vst v0  }
0x2c: {  	[tilespmem:s9+$0x4150] =	vst v0  }
0x2d: {  	[tilespmem:s9+$0x4160] =	vst v0;
	s9 =	sshra.s32 s11, $0x2;
	s11 =	sadd.s32 $0x200, s11  }
0x2e: {  	[tilespmem:s9+$0x4170] =	vst v0  }
0x2f: {  	[tilespmem:s9+$0x4100] =	vst v0  }
0x30: {  	[tilespmem:s9+$0x4110] =	vst v0  }
0x31: {  	[tilespmem:s9+$0x4120] =	vst v0  }
0x32: {  	[tilespmem:s9+$0x4130] =	vst v0  }
0x33: {  	[tilespmem:s9+$0x4140] =	vst v0  }
0x34: {  	[tilespmem:s9+$0x4150] =	vst v0  }
0x35: {  	[tilespmem:s9+$0x4160] =	vst v0;
	s9 =	simm.s32 $0x0;
	s11 =	simm.s32 $0x200  }
.LBB2_4:
0x36: {  	p0 =	sne.s32 s11, $0xFE00;
	[tilespmem:s9+$0x170] =	vst v1  }
0x37: {  	[tilespmem:s9+$0x100] =	vst v1  }
0x38: {  	[tilespmem:s9+$0x110] =	vst v1  }
.Ltmp1:
0x39: {  	[tilespmem:s9+$0x120] =	vst v1;
	(pc) =	sbr.rel @p0 .LBB2_4-.Ltmp1, $4  }
0x3a: {  	[tilespmem:s9+$0x130] =	vst v1  }
0x3b: {  	[tilespmem:s9+$0x140] =	vst v1  }
0x3c: {  	[tilespmem:s9+$0x150] =	vst v1  }
0x3d: {  	[tilespmem:s9+$0x160] =	vst v1;
	s9 =	sshra.s32 s11, $0x2;
	s11 =	sadd.s32 $0x200, s11  }
0x3e: {  	[tilespmem:s9+$0x170] =	vst v1  }
0x3f: {  	[tilespmem:s9+$0x100] =	vst v1  }
0x40: {  	[tilespmem:s9+$0x110] =	vst v1  }
0x41: {  	[tilespmem:s9+$0x120] =	vst v1  }
0x42: {  	[tilespmem:s9+$0x130] =	vst v1  }
0x43: {  	[tilespmem:s9+$0x140] =	vst v1  }
0x44: {  	[tilespmem:s9+$0x150] =	vst v1  }
0x45: {  	[tilespmem:s9+$0x160] =	vst v1  }
0x46: {  	[spmem:s14] =	stream.linear.scatter [tilespmem:s4], [sflag:$0x1], $0x2000, $0x38;
	[tilespmem:$0x1A100] =	vst v63  }
0x47: {  	_ =	swait.ge [sflag:s5], $0x2000  }
0x48: {  	[sflag:s5] =	ssyncset.done $0x0  }
0x49: {  	[sflag:s5] =	ssyncadd.s32 $0xFFFFE000  }
0x4a: {  	[spmem:s26] =	stream.linear.scatter [tilespmem:s4], [sflag:$0x1], $0x2000, $0x38;
	[tilespmem:$0x1A100] =	vst v63  }
0x4b: {  	_ =	swait.ge [sflag:s5], $0x2000  }
0x4c: {  	[sflag:s5] =	ssyncset.done $0x0  }
0x4d: {  	[sflag:s5] =	ssyncadd.s32 $0xFFFFE000  }
0x4e: {  	[spmem:s28] =	stream.linear.scatter [tilespmem:s4], [sflag:$0x1], $0x2000, $0x38;
	[tilespmem:$0x1A100] =	vst v63  }
0x4f: {  	_ =	swait.ge [sflag:s5], $0x2000  }
0x50: {  	[sflag:s5] =	ssyncset.done $0x0  }
0x51: {  	[sflag:s5] =	ssyncadd.s32 $0xFFFFE000  }
0x52: {  	[spmem:s29] =	stream.linear.scatter [tilespmem:s4], [sflag:$0x1], $0x2000, $0x38;
	[tilespmem:$0x1A100] =	vst v63  }
0x53: {  	_ =	swait.ge [sflag:s5], $0x2000  }
0x54: {  	[sflag:s5] =	ssyncset.done $0x0  }
0x55: {  	[sflag:s5] =	ssyncadd.s32 $0xFFFFE000  }
0x56: {  	[spmem:s30] =	stream.linear.scatter [tilespmem:s4], [sflag:$0x1], $0x2000, $0x38;
	[tilespmem:$0x1A100] =	vst v63  }
0x57: {  	_ =	swait.ge [sflag:s5], $0x2000  }
0x58: {  	[sflag:s5] =	ssyncset.done $0x0  }
0x59: {  	[sflag:s5] =	ssyncadd.s32 $0xFFFFE000  }
0x5a: {  	[spmem:s31] =	stream.linear.scatter [tilespmem:s4], [sflag:$0x1], $0x2000, $0x38;
	[tilespmem:$0x1A100] =	vst v63  }
0x5b: {  	_ =	swait.ge [sflag:s5], $0x2000  }
0x5c: {  	[sflag:s5] =	ssyncset.done $0x0  }
0x5d: {  	[sflag:s5] =	ssyncadd.s32 $0xFFFFE000  }
0x5e: {  	[spmem:s10] =	stream.linear.scatter [tilespmem:s4], [sflag:$0x1], $0x2000, $0x38;
	[tilespmem:$0x1A100] =	vst v63  }
0x5f: {  	_ =	swait.ge [sflag:s5], $0x2000  }
0x60: {  	[sflag:s5] =	ssyncset.done $0x0  }
0x61: {  	[sflag:s5] =	ssyncadd.s32 $0xFFFFE000  }
0x62: {  	[spmem:s0] =	stream.linear.scatter [tilespmem:s4], [sflag:$0x1], $0x2000, $0x38;
	[tilespmem:$0x1A100] =	vst v63  }
0x63: {  	_ =	swait.ge [sflag:s5], $0x2000  }
0x64: {  	[sflag:s5] =	ssyncset.done $0x0  }
0x65: {  	[sflag:s5] =	ssyncadd.s32 $0xFFFFE000  }
0x66: {  	[spmem:s2] =	stream.linear.scatter [tilespmem:s4], [sflag:$0x1], $0x2000, $0x38;
	[tilespmem:$0x1A100] =	vst v63  }
0x67: {  	_ =	swait.ge [sflag:s5], $0x2000  }
0x68: {  	[sflag:s5] =	ssyncset.done $0x0  }
0x69: {  	[sflag:s5] =	ssyncadd.s32 $0xFFFFE000  }
0x6a: {  	[spmem:s3] =	stream.linear.scatter [tilespmem:s4], [sflag:$0x1], $0x2000, $0x38;
	[tilespmem:$0x1A100] =	vst v63  }
0x6b: {  	_ =	swait.ge [sflag:s5], $0x2000  }
0x6c: {  	[sflag:s5] =	ssyncset.done $0x0  }
0x6d: {  	[sflag:s5] =	ssyncadd.s32 $0xFFFFE000  }
0x6e: {  	s15 =	sadd.s32 $0x0, s16;
	[bflag:$0x0] =	sbarrier.arrive $0xFFFF  }
0x6f: {  	[tilespmem:s13], [sflag:$0x1] =	stream.linear.gather [hbm4b:s15+s13], $0x100, $0x38;
	[tilespmem:$0x1A100] =	vst v63  }
0x70: {  	_ =	swait.ge [sflag:s5], $0x100  }
0x71: {  	[sflag:s5] =	ssyncset.done $0x0  }
0x72: {  	[sflag:s5] =	ssyncadd.s32 $0xFFFFFF00  }
0x73: {  	[spmem:s1] =	stream.indirect.scatter.add.f32 [tilespmem:s7], [sflag:$0x1], $0x80, s6, s6, $0xb8;
	[tilespmem:$0x1A100] =	vst v63  }
0x74: {  	_ =	swait.ge [sflag:s5], $0x4000  }
0x75: {  	s9 =	simm.s32 $0x20;
	s11 =	simm.s32 $0x40;
	[sflag:s5] =	ssyncset.done $0x0  }
.LBB2_6:
0x76: {  	s12 =	sadd.s32 s9, s16  }
0x77: {  	[sflag:s5] =	ssyncadd.s32 $0xFFFFC000;
	s9 =	smov.u32 s11;
	s15 =	sadd.s32 $0x20, s11  }
0x78: {  	[tilespmem:s13], [sflag:$0x1] =	stream.linear.gather [hbm4b:s12+s13], $0x100, $0x38;
	[tilespmem:$0x1A100] =	vst v63  }
0x79: {  	p0 =	sne.s32 s11, $0x9E0;
	_ =	swait.ge [sflag:s5], $0x100  }
.Ltmp2:
0x7a: {  	[sflag:s5] =	ssyncset.done $0x0;
	(pc) =	sbr.rel @p0 .LBB2_6-.Ltmp2, $4  }
0x7b: {  	[sflag:s5] =	ssyncadd.s32 $0xFFFFFF00  }
0x7c: {  	[spmem:s1] =	stream.indirect.scatter.add.f32 [tilespmem:s7], [sflag:$0x1], $0x80, s6, s6, $0xb8;
	[tilespmem:$0x1A100] =	vst v63  }
0x7d: {  	_ =	swait.ge [sflag:s5], $0x4000  }
0x7e: {  	s11 =	smov.u32 s15;
	[sflag:s5] =	ssyncset.done $0x0  }
0x7f: {  	s9 =	sadd.s32 s9, s16;
	[sflag:s5] =	ssyncadd.s32 $0xFFFFC000  }
0x80: {  	[tilespmem:s13], [sflag:$0x1] =	stream.linear.gather [hbm4b:s9+s13], $0x100, $0x38;
	[tilespmem:$0x1A100] =	vst v63  }
0x81: {  	_ =	swait.ge [sflag:s5], $0x100  }
0x82: {  	[sflag:s5] =	ssyncset.done $0x0  }
0x83: {  	[sflag:s5] =	ssyncadd.s32 $0xFFFFFF00  }
0x84: {  	[spmem:s1] =	stream.indirect.scatter.add.f32 [tilespmem:s7], [sflag:$0x1], $0x80, s6, s6, $0xb8;
	[tilespmem:$0x1A100] =	vst v63  }
0x85: {  	_ =	swait.ge [sflag:s5], $0x4000  }
0x86: {  	[sflag:s5] =	ssyncset.done $0x0  }
0x87: {  	s11 =	stileid.u32;
	[sflag:s5] =	ssyncadd.s32 $0xFFFFC000  }
0x88: {  	s9 =	sshll.u32 s11, $0x6;
	[bflag:$0x0] =	sbarrier.arrive $0xFFFF  }
0x89: {  	s11 =	sshrl.u32 s14, $0x3;
	s9 =	sor.u32 $0x1C01, s9;
	s12 =	rddreg [dreg:$0x3]  }
0x8a: {  	[hbm:s12], [sflag:s9] =	dma.local [spmem:s11], $0x400  }
0x8b: {  	_ =	swait.ge [sflag:s5], $0x400  }
0x8c: {  	[sflag:s5] =	ssyncset.done $0x0  }
0x8d: {  	s12 =	rddreg [dreg:$0x4];
	[sflag:s5] =	ssyncadd.s32 $0xFFFFFC00  }
0x8e: {  	[hbm:s12], [sflag:s9] =	dma.local [spmem:s17], $0x400  }
0x8f: {  	_ =	swait.ge [sflag:s5], $0x400  }
0x90: {  	[sflag:s5] =	ssyncset.done $0x0  }
0x91: {  	s15 =	rddreg [dreg:$0x5];
	[sflag:s5] =	ssyncadd.s32 $0xFFFFFC00  }
0x92: {  	[hbm:s15], [sflag:s9] =	dma.local [spmem:s18], $0x400  }
0x93: {  	_ =	swait.ge [sflag:s5], $0x400  }
0x94: {  	[sflag:s5] =	ssyncset.done $0x0  }
0x95: {  	s12 =	rddreg [dreg:$0x6];
	[sflag:s5] =	ssyncadd.s32 $0xFFFFFC00  }
0x96: {  	[hbm:s12], [sflag:s9] =	dma.local [spmem:s19], $0x400  }
0x97: {  	_ =	swait.ge [sflag:s5], $0x400  }
0x98: {  	[sflag:s5] =	ssyncset.done $0x0  }
0x99: {  	s15 =	rddreg [dreg:$0x7];
	[sflag:s5] =	ssyncadd.s32 $0xFFFFFC00  }
0x9a: {  	[hbm:s15], [sflag:s9] =	dma.local [spmem:s20], $0x400  }
0x9b: {  	_ =	swait.ge [sflag:s5], $0x400  }
0x9c: {  	[sflag:s5] =	ssyncset.done $0x0  }
0x9d: {  	s12 =	rddreg [dreg:$0x8];
	[sflag:s5] =	ssyncadd.s32 $0xFFFFFC00  }
0x9e: {  	[hbm:s12], [sflag:s9] =	dma.local [spmem:s21], $0x400  }
0x9f: {  	_ =	swait.ge [sflag:s5], $0x400  }
0xa0: {  	[sflag:s5] =	ssyncset.done $0x0  }
0xa1: {  	s15 =	rddreg [dreg:$0x9];
	[sflag:s5] =	ssyncadd.s32 $0xFFFFFC00  }
0xa2: {  	[hbm:s15], [sflag:s9] =	dma.local [spmem:s22], $0x400  }
0xa3: {  	_ =	swait.ge [sflag:s5], $0x400  }
0xa4: {  	[sflag:s5] =	ssyncset.done $0x0  }
0xa5: {  	s12 =	rddreg [dreg:$0xa];
	[sflag:s5] =	ssyncadd.s32 $0xFFFFFC00  }
0xa6: {  	[hbm:s12], [sflag:s9] =	dma.local [spmem:s23], $0x400  }
0xa7: {  	_ =	swait.ge [sflag:s5], $0x400  }
0xa8: {  	[sflag:s5] =	ssyncset.done $0x0  }
0xa9: {  	s15 =	rddreg [dreg:$0xb];
	[sflag:s5] =	ssyncadd.s32 $0xFFFFFC00  }
0xaa: {  	[hbm:s15], [sflag:s9] =	dma.local [spmem:s24], $0x400  }
0xab: {  	_ =	swait.ge [sflag:s5], $0x400  }
0xac: {  	[sflag:s5] =	ssyncset.done $0x0  }
0xad: {  	s12 =	rddreg [dreg:$0xc];
	[sflag:s5] =	ssyncadd.s32 $0xFFFFFC00  }
0xae: {  	[hbm:s12], [sflag:s9] =	dma.local [spmem:s25], $0x400  }
0xaf: {  	_ =	swait.ge [sflag:s5], $0x400  }
0xb0: {  	s8 =	sadd.s32 $0x1, s8;
	s15 =	rddreg [dreg:$0xd]  }
0xb1: {  	p0 =	sne.s32 s8, s15  }
.Ltmp3:
0xb2: {  	_ = 	snop;
	(pc) =	sbr.rel @p0 .LBB2_1-.Ltmp3, $3  }
0xb3: {  	_ =	sdelay $0x1  }
0xb4: {  	[sflag:s5] =	ssyncset.done $0x0  }
0xb5: {  	[sflag:s5] =	ssyncadd.s32 $0xFFFFFC00  }
0xb6: {  	_ =	sfence.sel $0x180000  }
0xb7: {  	[bflag:$0x0] =	sbarrier.arrive $0xFFFF  }
0xb8: {  	_ =	strace $0x90000047  }
0xb9: {  	s0 =	stileid.u32;
	[bflag:$0x2] =	sbarrier.arrive $0xFFFF  }
0xba: {  	p0 =	sne.s32 s0, $0x0;
	s0 =	rddreg [dreg:$0x2]  }
0xbb: {  	s0 =	sadd.s32 @!p0 $0x100000, s0  }
0xbc: {  	[sflag:s0] =	ssyncadd.tile.s32 @!p0 $0x1;
	_ =	shalt  }
.Lfunc_end2:
_tile_overlayer_lowered:
.L_overlay_start_2:
0xbd: {  	(tag) =	ssettag $0x2  }
0xbe: {  	s0 =	rddreg [dreg:$0x0];
	s2 =	stileid.u32  }
0xbf: {  	s1 =	rddreg [dreg:$0x1];
	p0 =	sne.s32 s2, $0x0  }
0xc0: {  	s3 =	rddreg [dreg:$0x2];
	[bflag:$0x3] =	sbarrier.arrive $0xFFFF;
	s2 =	simm.s32 @!p0 $0x1C01  }
0xc1: {  	[timem:s3], [sflag:s2] =	dma.local @!p0 [hbm:s0], s1  }
0xc2: {  	s0 =	simm.s32 @!p0 $0x1  }
0xc3: {  	_ =	swait.ge @!p0 [sflag:s0], s1  }
0xc4: {  	s1 =	ssub.s32 @!p0 $0x0, s1;
	[sflag:s0] =	ssyncset.done @!p0 $0x0  }
0xc5: {  	[sflag:s0] =	ssyncadd.s32 @!p0 s1  }
0xc6: {  	[bflag:$0x3] =	sbarrier.arrive $0xFFFF  }
0xc7: {  	_ =	shalt  }

// kernel: kernel.13.cloned.1.call-start
scs
__scs_entry_jumppad:
0x0: {  	(pc) =	sbr.rel $0x88, $3  }
0x1: {  	(tag) =	ssettag $0x0;
	lr =	simm.s32 $0x1  }
0x2: {  	[smem:$0x3F96] =	sst lr;
	_ =	strace $0xD0000000  }
0x3: {  	_ = 	snop  }
0x4: {  	_ = 	snop  }
0x5: {  	_ = 	snop  }
0x6: {  	_ = 	snop  }
0x7: {  	_ = 	snop  }
__scs_overlays_trampoline_lowered:
0x8: {  	[smem:$0x3FA5] =	sst s0  }
0x9: {  	[smem:$0x3FA6] =	sst s1  }
0xa: {  	[smem:$0x3FA7] =	sst s2  }
0xb: {  	[smem:$0x3FA8] =	sst s3  }
0xc: {  	[smem:$0x3FA9] =	sst s4  }
0xd: {  	[smem:$0x3FAA] =	sst s5  }
0xe: {  	[smem:$0x3FAB] =	sst s6  }
0xf: {  	[smem:$0x3FAC] =	sst s7  }
0x10: {  	[smem:$0x3FAD] =	sst s8  }
0x11: {  	[smem:$0x3FAE] =	sst s9;
	s0 =	simm.s32 @!p0 $0x0  }
0x12: {  	s1 =	sld [smem:$0x3F94];
	s0 =	simm.s32 @p0 $0x1  }
0x13: {  	[smem:$0x3FAF] =	sst s0;
	s0 =	simm.s32 @!p1 $0x0  }
0x14: {  	s2 =	sld [smem:$0x3F93];
	s0 =	simm.s32 @p1 $0x1  }
0x15: {  	[smem:$0x3FB0] =	sst s0;
	s0 =	simm.s32 @!p2 $0x0  }
0x16: {  	s3 =	sld [smem:$0x3FDB];
	s0 =	simm.s32 @p2 $0x1  }
0x17: {  	s4 =	simm.s32 $0x1BF5;
	[smem:$0x3FB2] =	sst s0  }
0x18: {  	s0 =	sld [smem:$0x3F95];
	_ =	swait.ge [sflag:s4], $0x0  }
0x19: {  	s7 =	sld [smem:$0x3F96]  }
0x1a: {  	s8 =	sadd.s32 $0xFFFFE003, lr  }
0x1b: {  	s9 =	sadd.s32 $0xFFFFFEF7, lr;
	s5 =	simm.s32 $0xFFFFFFFF;
	p2 =	slt.u32 s8, $0xFFFFF086  }
0x1c: {  	p1 =	slt.u32 s9, $0xF7A;
	s5 =	simm.s32 @!p2 $0x0  }
0x1d: {  	s5 =	simm.s32 @p1 $0x1;
	p0 =	seq.s32 s7, s2  }
0x1e: {  	s7 =	smul.u32 @!p0 $0xF7A, s2;
	p2 =	seq.s32 @!p0 s5, $0x0  }
0x1f: {  	s9 =	smul.u32 $0xF7A, s1;
	s8 =	simm.s32 @!p0 $0x1BF5;
	p2 =	por !p2, p0  }
0x20: {  	[sflag:s8] =	ssyncset.s32 @!p0 $0xFFFFF086;
	s6 =	sadd.s32 @!p0 s3, s7;
	s7 =	simm.s32 @!p0 $0x108  }
0x21: {  	s3 =	sadd.s32 s3, s9;
	s6 =	sadd.s32 @!p0 $0x88, s6;
	s7 =	simm.s32 @p2 $0x1082  }
0x22: {  	[simem:s7], [sflag:s8] =	dma.local @!p0 [hbm:s6], $0xF7A  }
0x23: {  	s9 =	sor.u32 $0xD0000000, s2;
	s6 =	simm.s32 $0x108;
	_ =	swait.ge @!p0 [sflag:s8], $0x0  }
0x24: {  	s3 =	sadd.s32 $0x88, s3;
	s6 =	simm.s32 @!p1 $0x1082;
	[sflag:s4] =	ssyncset.s32 $0xFFFFF086  }
0x25: {  	[simem:s6], [sflag:s4] =	dma.local [hbm:s3], $0xF7A  }
0x26: {  	[smem:$0x3F96] =	sst s1;
	(tag) =	ssettag s2;
	_ =	strace s9  }
0x27: {  	s1 =	sld [smem:$0x3FA6]  }
0x28: {  	s2 =	sld [smem:$0x3FA7]  }
0x29: {  	s4 =	sld [smem:$0x3FA9]  }
0x2a: {  	p0 =	seq.s32 s5, $0x0;
	s5 =	sld [smem:$0x3FAA]  }
0x2b: {  	s6 =	sld [smem:$0x3FAB]  }
0x2c: {  	s7 =	sld [smem:$0x3FAC]  }
0x2d: {  	s3 =	simm.s32 $0x108;
	s8 =	sld [smem:$0x3FAD]  }
0x2e: {  	s3 =	simm.s32 @!p0 $0x1082;
	s9 =	sld [smem:$0x3FAE]  }
0x2f: {  	lr =	sadd.s32 s0, s3;
	s0 =	sld [smem:$0x3FA5]  }
0x30: {  	s3 =	sld [smem:$0x3FA8]  }
0x31: {  	[smem:$0x3FB1] =	sst s10  }
0x32: {  	s10 =	sld [smem:$0x3FAF];
	_ =	sdelay $0x3  }
0x33: {  	p0 =	seq.s32 s10, $0x1;
	s10 =	sld [smem:$0x3FB1];
	_ =	sdelay $0x3  }
0x34: {  	[smem:$0x3FB1] =	sst s10  }
0x35: {  	s10 =	sld [smem:$0x3FB0];
	_ =	sdelay $0x3  }
0x36: {  	p1 =	seq.s32 s10, $0x1;
	s10 =	sld [smem:$0x3FB1];
	_ =	sdelay $0x3  }
0x37: {  	[smem:$0x3FB1] =	sst s10  }
0x38: {  	s10 =	sld [smem:$0x3FB2]  }
0x39: {  	_ = 	snop;
	(pc) =	sbr.ind lr, $3  }
0x3a: {  	_ = 	snop  }
0x3b: {  	_ = 	snop  }
0x3c: {  	p2 =	seq.s32 s10, $0x1;
	s10 =	sld [smem:$0x3FB1]  }
0x3d: {  	_ =	shalt  }
0x3e: {  	_ =	shalt  }
0x3f: {  	_ =	shalt  }
0x40: {  	_ =	shalt  }
0x41: {  	_ =	shalt  }
0x42: {  	_ =	shalt  }
0x43: {  	_ =	shalt  }
0x44: {  	_ =	shalt  }
0x45: {  	_ =	shalt  }
0x46: {  	_ =	shalt  }
0x47: {  	_ =	shalt  }
0x48: {  	_ =	shalt  }
0x49: {  	_ =	shalt  }
0x4a: {  	_ =	shalt  }
0x4b: {  	_ =	shalt  }
0x4c: {  	_ =	shalt  }
0x4d: {  	_ =	shalt  }
0x4e: {  	_ =	shalt  }
0x4f: {  	_ =	shalt  }
0x50: {  	_ =	shalt  }
0x51: {  	_ =	shalt  }
0x52: {  	_ =	shalt  }
0x53: {  	_ =	shalt  }
0x54: {  	_ =	shalt  }
0x55: {  	_ =	shalt  }
0x56: {  	_ =	shalt  }
0x57: {  	_ =	shalt  }
0x58: {  	_ =	shalt  }
0x59: {  	_ =	shalt  }
0x5a: {  	_ =	shalt  }
0x5b: {  	_ =	shalt  }
0x5c: {  	_ =	shalt  }
0x5d: {  	_ =	shalt  }
0x5e: {  	_ =	shalt  }
0x5f: {  	_ =	shalt  }
0x60: {  	_ =	shalt  }
0x61: {  	_ =	shalt  }
0x62: {  	_ =	shalt  }
0x63: {  	_ =	shalt  }
0x64: {  	_ =	shalt  }
0x65: {  	_ =	shalt  }
0x66: {  	_ =	shalt  }
0x67: {  	_ =	shalt  }
0x68: {  	_ =	shalt  }
0x69: {  	_ =	shalt  }
0x6a: {  	_ =	shalt  }
0x6b: {  	_ =	shalt  }
0x6c: {  	_ =	shalt  }
0x6d: {  	_ =	shalt  }
0x6e: {  	_ =	shalt  }
0x6f: {  	_ =	shalt  }
0x70: {  	_ =	shalt  }
0x71: {  	_ =	shalt  }
0x72: {  	_ =	shalt  }
0x73: {  	_ =	shalt  }
0x74: {  	_ =	shalt  }
0x75: {  	_ =	shalt  }
0x76: {  	_ =	shalt  }
0x77: {  	_ =	shalt  }
0x78: {  	_ =	shalt  }
0x79: {  	_ =	shalt  }
0x7a: {  	_ =	shalt  }
0x7b: {  	_ =	shalt  }
0x7c: {  	_ =	shalt  }
0x7d: {  	_ =	shalt  }
0x7e: {  	_ =	shalt  }
0x7f: {  	_ =	shalt  }
0x80: {  	_ =	shalt  }
0x81: {  	_ =	shalt  }
0x82: {  	_ =	shalt  }
0x83: {  	_ =	shalt  }
0x84: {  	_ =	shalt  }
0x85: {  	_ =	shalt  }
0x86: {  	_ =	shalt  }
0x87: {  	_ =	shalt  }
.Lfunc_end0:
.L_simem_size_0:
called_computation.1_lowered:
.L_overlay_start_0:
0x88: {  	s2 =	sld [smem:$0x3FD9]  }
0x89: {  	s3 =	sld [smem:$0x3FFE];
	_ =	sdelay $0x1  }
0x8a: {  	s1 =	srdreg.scid  }
0x8b: {  	s0 =	sand.u32 $0x1, s1  }
0x8c: {  	s17 =	sshll.u32 s0, $0xA;
	s2 =	sadd.s32 s3, s2  }
0x8d: {  	s2 =	sadd.s32 s2, s17  }
0x8e: {  	[smem:$0x3FBD] =	sst s2  }
0x8f: {  	_ = 	snop  }
0x90: {  	(tm) =	ssettm $0x1  }
0x91: {  	s18 =	sld [smem:$0x3FFB];
	_ =	sdelay $0x3  }
0x92: {  	_ =	strace s18  }
0x93: {  	s2 =	sld [smem:$0x3FFC];
	_ =	sdelay $0x3  }
0x94: {  	_ =	strace s2  }
0x95: {  	s2 =	sld [smem:$0x3FFD];
	_ =	sdelay $0x3  }
0x96: {  	_ =	strace s2  }
0x97: {  	_ =	strace $0x8FFFFFFF  }
0x98: {  	s19 =	sld [smem:$0x3FDB];
	_ =	sdelay $0x1  }
0x99: {  	s20 =	simm.s32 $_scs_section_size  }
0x9a: {  	s4 =	simm.s32 $_size__tile_overlayer_lowered;
	s5 =	simm.s32 $_tile_overlayer_lowered  }
0x9b: {  	s6 =	simm.s32 $0x1BFF;
	s21 =	sshll.u32 s5, $0x1;
	s3 =	sadd.s32 s20, s19  }
0x9c: {  	s22 =	simm.s32 $0x0;
	s4 =	sshll.u32 s4, $0x1;
	s5 =	sadd.s32 s21, s3  }
0x9d: {  	[timem:s22], [sflag:s6] =	dma.local [hbm:s5], s4  }
0x9e: {  	_ =	swait.ge [sflag:s6], s4  }
0x9f: {  	s4 =	ssub.s32 $0x0, s4;
	[sflag:s6] =	ssyncset.done $0x0  }
0xa0: {  	[sflag:s6] =	ssyncadd.s32 s4;
	_ =	sdelay $0x1  }
0xa1: {  	s23 =	simm.s32 $0x1B8B  }
0xa2: {  	_ =	swait.ge [sflag:s23], $0x1  }
0xa3: {  	[sflag:s23] =	ssyncset.done $0x0  }
0xa4: {  	[sflag:s23] =	ssyncadd.s32 $0xFFFFFFFF  }
0xa5: {  	s4 =	sld [smem:$0x0]  }
0xa6: {  	s5 =	sand.u32 $0xFFFFFFFE, s1  }
0xa7: {  	p0 =	sne.s32 s1, s5  }
0xa8: {  	s5 =	sshll.u32 @p0 s5, $0xE  }
0xa9: {  	s5 =	sadd.s32 @p0 $0x11B8D, s5;
	s6 =	sshll.u32 @p0 s4, $0x11  }
0xaa: {  	s5 =	sor.u32 @p0 s6, s5  }
0xab: {  	[sflag:s5] =	ssyncadd.remote.s32 @p0 $0x1;
	_ =	sdelay $0x1  }
0xac: {  	s5 =	simm.s32 @p0 $0x1B8D  }
0xad: {  	_ =	swait.eq @p0 [sflag:s5], $0x1  }
0xae: {  	[sflag:s5] =	ssyncadd.s32 @p0 $0xFFFFFFFF  }
0xaf: {  	s6 =	sshll.u32 @!p0 s1, $0xE  }
0xb0: {  	s6 =	sor.u32 @!p0 $0x4000, s6;
	s5 =	simm.s32 @!p0 $0x1B8D  }
0xb1: {  	s4 =	sshll.u32 @!p0 s4, $0x11;
	s6 =	sadd.s32 @!p0 $0x11B8D, s6;
	_ =	swait.eq @!p0 [sflag:s5], $0x1  }
0xb2: {  	s4 =	sor.u32 @!p0 s4, s6;
	[sflag:s5] =	ssyncadd.s32 @!p0 $0xFFFFFFFF  }
0xb3: {  	s25 =	simm.s32 $0x1B8E;
	s24 =	sld [smem:$0x3FFE];
	[sflag:s4] =	ssyncadd.remote.s32 @!p0 $0x1  }
0xb4: {  	s26 =	simm.s32 $execute0_lowered;
	[smem:$0x3FD2] =	sst s25  }
0xb5: {  	s5 =	sshll.u32 s26, $0x1;
	_ =	strace $0x80000049;
	[dreg:$0x1] =	wrdreg $0xFFFFFFFF  }
0xb6: {  	s28 =	simm.s32 $_size_execute0_lowered;
	s3 =	sadd.s32 s3, s5;
	[dreg:$0x0] =	wrdreg $0x0  }
0xb7: {  	s5 =	sshll.u32 s28, $0x1;
	[dreg:$0x2] =	wrdreg s3  }
0xb8: {  	[dreg:$0x3] =	wrdreg s5  }
0xb9: {  	[dreg:$0x4] =	wrdreg $0xC0  }
0xba: {  	_ =	task [dreg:s22], $0x5FFFF  }
0xbb: {  	[dreg:$0x1] =	wrdreg $0xFFFFFFFF  }
0xbc: {  	[dreg:$0x0] =	wrdreg $0x60  }
0xbd: {  	[dreg:$0x2] =	wrdreg s24  }
0xbe: {  	[dreg:$0x3] =	wrdreg $0x61000  }
0xbf: {  	[dreg:$0x4] =	wrdreg $0xA  }
0xc0: {  	_ =	task.clear_ibuf [dreg:s22], $0x5FFFF;
	_ =	strace $0x90000049  }
0xc1: {  	s29 =	simm.s32 $0xA;
	_ =	strace $0x8000004B  }
0xc2: {  	_ =	swait.ge [sflag:s29], $0x1  }
0xc3: {  	[sflag:s29] =	ssyncadd.s32 $0xFFFFFFFF  }
0xc4: {  	_ =	strace $0x9000004B  }
0xc5: {  	_ =	sfence  }
0xc6: {  	s30 =	sld [smem:$0x0];
	_ =	sdelay $0x2  }
0xc7: {  	s31 =	sshll.u32 s1, $0xD;
	s1 =	sshrl.u32 s1, $0x2  }
0xc8: {  	s4 =	sand.u32 $0x4000, s31;
	s1 =	sadd.s32 s1, s30  }
0xc9: {  	s0 =	sor.u32 s4, s0;
	s1 =	sshll.u32 s1, $0x11  }
0xca: {  	s0 =	sor.u32 s1, s0  }
0xcb: {  	s0 =	sadd.s32 $0x8F2B, s0  }
0xcc: {  	[sflag:s0] =	ssyncadd.remote.s32 $0x1  }
0xcd: {  	_ =	sfence.sel $0xFFFF  }
0xce: {  	[dreg:$0x0] =	wrdreg $0xFFFFFFFF;
	(pc) =	sbr.abs _section_cstart, $3  }
0xcf: {  	[dreg:$0x1] =	wrdreg $0xFFFFFFFF  }
0xd0: {  	_ =	task.clear_ibuf [dreg:s22], $0x2FFFF;
	_ =	strace $0x9FFFFFFF  }
0xd1: {  	(tm) =	ssettm $0x7FFFFFFF  }
tec
execute0_lowered:
.L_overlay_start_1:
0x0: {  	(tag) =	ssettag $0x1  }
0x1: {  	s14 =	stileid.u32;
	s0 =	srdreg.scid  }
0x2: {  	s3 =	rddreg [dreg:$0x0];
	s2 =	smul.u32 $0x1400, s14  }
0x3: {  	s1 =	simm.s32 $0x0;
	s0 =	sand.u32 $0x1, s0;
	s6 =	smul.u32 $0x14000, s14  }
0x4: {  	[smem:$0x7FF] =	sst s1;
	s7 =	sadd.s32 $0x8E400, s3;
	s26 =	smul.u32 $0x50000, s14  }
0x5: {  	s14 =	sadd.s32 $0x67200, s3;
	s4 =	smul.u32 $0x140000, s0;
	s5 =	ssub.s32 $0x2, s0  }
0x6: {  	s0 =	smul.u32 $0xA00, s0;
	s2 =	sadd.s32 s2, s3;
	s8 =	sshrl.u32 s5, $0x1  }
0x7: {  	s9 =	sor.u32 $0x2000, s6;
	s11 =	sadd.s32 $0x4000, s6;
	s5 =	ssub.s32 s5, s8  }
0x8: {  	s12 =	sadd.s32 s4, s6;
	s10 =	sadd.s32 s4, s9;
	s15 =	sadd.s32 s4, s11  }
0x9: {  	s0 =	sadd.s32 s0, s2;
	s8 =	sshrl.u32 s12, $0x3;
	s13 =	sshrl.u32 s10, $0x3  }
0xa: {  	s16 =	sshrl.u32 s15, $0x3;
	s10 =	sadd.s32 $0x6000, s6;
	s8 =	sadd.s32 s7, s8  }
0xb: {  	s17 =	sadd.s32 s4, s10;
	[dreg:$0x3] =	wrdreg s8;
	s8 =	sadd.s32 s7, s13  }
0xc: {  	s13 =	sadd.s32 $0x8000, s6;
	[dreg:$0x4] =	wrdreg s8;
	s8 =	sadd.s32 s7, s16  }
0xd: {  	s12 =	sadd.s32 s4, s13;
	s16 =	sadd.s32 $0xA000, s6;
	[dreg:$0x5] =	wrdreg s8  }
0xe: {  	s8 =	sshrl.u32 s17, $0x3;
	s18 =	sshrl.u32 s12, $0x3;
	s19 =	sadd.s32 s4, s16  }
0xf: {  	s17 =	sadd.s32 $0xC000, s6;
	s12 =	rddreg [dreg:$0x1];
	s8 =	sadd.s32 s7, s8  }
0x10: {  	s20 =	sshrl.u32 s19, $0x3;
	s21 =	sadd.s32 s4, s17;
	s19 =	sadd.s32 $0x10000, s6  }
0x11: {  	s10 =	sadd.s32 s10, s12;
	[dreg:$0x6] =	wrdreg s8;
	s8 =	sadd.s32 s7, s18  }
0x12: {  	s18 =	sadd.s32 $0xE000, s6;
	s24 =	sadd.s32 s4, s19;
	s6 =	sadd.s32 $0x12000, s6  }
0x13: {  	s19 =	sadd.s32 s19, s12;
	[dreg:$0x7] =	wrdreg s8;
	s8 =	sadd.s32 s7, s20  }
0x14: {  	s22 =	sadd.s32 s4, s18;
	s25 =	sshrl.u32 s24, $0x3;
	s4 =	sadd.s32 s4, s6  }
0x15: {  	s18 =	sadd.s32 s18, s12;
	s6 =	sadd.s32 s6, s12;
	s20 =	sshrl.u32 s10, $0x3  }
0x16: {  	s10 =	simm.s32 $0x0;
	[dreg:$0x8] =	wrdreg s8;
	s8 =	sshrl.u32 s21, $0x3  }
0x17: {  	s23 =	sshrl.u32 s22, $0x3;
	s4 =	sshrl.u32 s4, $0x3;
	s8 =	sadd.s32 s7, s8  }
0x18: {  	s24 =	sshrl.u32 s18, $0x3;
	s4 =	sadd.s32 s7, s4;
	[dreg:$0x9] =	wrdreg s8  }
0x19: {  	s8 =	sadd.s32 s7, s23;
	[dreg:$0xc] =	wrdreg s4;
	s4 =	sshrl.u32 s26, $0x2  }
0x1a: {  	[dreg:$0xa] =	wrdreg s8;
	s8 =	sadd.s32 s7, s25;
	s15 =	sadd.s32 s4, s12  }
0x1b: {  	s7 =	smax.u32 s5, $0x1;
	s5 =	simm.s32 $0x4100;
	[dreg:$0xb] =	wrdreg s8  }
0x1c: {  	s8 =	sadd.s32 s9, s12;
	s9 =	sadd.s32 s11, s12;
	s11 =	sadd.s32 s13, s12  }
0x1d: {  	s13 =	sadd.s32 s16, s12;
	s16 =	sadd.s32 s17, s12;
	s17 =	sadd.s32 $0x3200, s0  }
0x1e: {  	s28 =	sadd.s32 $0x2000, s15;
	s29 =	sadd.s32 $0x4000, s15;
	s30 =	sadd.s32 $0x6000, s15  }
0x1f: {  	s31 =	sadd.s32 $0x8000, s15;
	s0 =	sadd.s32 $0xC000, s15;
	s2 =	sadd.s32 $0xE000, s15  }
0x20: {  	s3 =	sadd.s32 $0x10000, s15;
	s4 =	sadd.s32 $0x12000, s15;
	_ =	strace $0x8000004A  }
0x21: {  	[dreg:$0xd] =	wrdreg s7;
	s25 =	sshrl.u32 s8, $0x3;
	s26 =	sshrl.u32 s9, $0x3  }
0x22: {  	s21 =	sshrl.u32 s11, $0x3;
	s22 =	sshrl.u32 s13, $0x3;
	s23 =	sshrl.u32 s16, $0x3  }
0x23: {  	s11 =	sadd.s32 $0xA000, s15;
	s7 =	simm.s32 $0x80;
	[dreg:$0xe] =	wrdreg s25  }
0x24: {  	s8 =	simm.s32 $0x100;
	s9 =	simm.s32 $0x1;
	[dreg:$0xf] =	wrdreg s26  }
0x25: {  	v0 =	vimm.f32 $0.0e+00;
	s25 =	sshrl.u32 s19, $0x3;
	s26 =	sshrl.u32 s6, $0x3;
	s6 =	simm.s32 $0x2  }
.LBB2_1:
0x26: {  	s13 =	simm.s32 $0x0;
	s16 =	simm.s32 $0x200  }
.LBB2_2:
0x27: {  	p0 =	sne.s32 s16, $0x7E00;
	[tilespmem:s13+$0x4170] =	vst v0  }
0x28: {  	[tilespmem:s13+$0x4100] =	vst v0  }
0x29: {  	[tilespmem:s13+$0x4110] =	vst v0  }
.Ltmp0:
0x2a: {  	[tilespmem:s13+$0x4120] =	vst v0;
	(pc) =	sbr.rel @p0 .LBB2_2-.Ltmp0, $4  }
0x2b: {  	[tilespmem:s13+$0x4130] =	vst v0  }
0x2c: {  	[tilespmem:s13+$0x4140] =	vst v0  }
0x2d: {  	[tilespmem:s13+$0x4150] =	vst v0  }
0x2e: {  	[tilespmem:s13+$0x4160] =	vst v0;
	s13 =	sshra.s32 s16, $0x2;
	s16 =	sadd.s32 $0x200, s16  }
0x2f: {  	[tilespmem:s13+$0x4170] =	vst v0  }
0x30: {  	[tilespmem:s13+$0x4100] =	vst v0  }
0x31: {  	[tilespmem:s13+$0x4110] =	vst v0  }
0x32: {  	[tilespmem:s13+$0x4120] =	vst v0  }
0x33: {  	[tilespmem:s13+$0x4130] =	vst v0  }
0x34: {  	[tilespmem:s13+$0x4140] =	vst v0  }
0x35: {  	[tilespmem:s13+$0x4150] =	vst v0  }
0x36: {  	[tilespmem:s13+$0x4160] =	vst v0  }
0x37: {  	[spmem:s15] =	stream.linear.scatter [tilespmem:s5], [sflag:$0x2], $0x2000, $0x38;
	[tilespmem:$0x1A100] =	vst v63  }
0x38: {  	_ =	swait.ge [sflag:s6], $0x2000  }
0x39: {  	[sflag:s6] =	ssyncset.done $0x0  }
0x3a: {  	[sflag:s6] =	ssyncadd.s32 $0xFFFFE000  }
0x3b: {  	[spmem:s28] =	stream.linear.scatter [tilespmem:s5], [sflag:$0x2], $0x2000, $0x38;
	[tilespmem:$0x1A100] =	vst v63  }
0x3c: {  	_ =	swait.ge [sflag:s6], $0x2000  }
0x3d: {  	[sflag:s6] =	ssyncset.done $0x0  }
0x3e: {  	[sflag:s6] =	ssyncadd.s32 $0xFFFFE000  }
0x3f: {  	[spmem:s29] =	stream.linear.scatter [tilespmem:s5], [sflag:$0x2], $0x2000, $0x38;
	[tilespmem:$0x1A100] =	vst v63  }
0x40: {  	_ =	swait.ge [sflag:s6], $0x2000  }
0x41: {  	[sflag:s6] =	ssyncset.done $0x0  }
0x42: {  	[sflag:s6] =	ssyncadd.s32 $0xFFFFE000  }
0x43: {  	[spmem:s30] =	stream.linear.scatter [tilespmem:s5], [sflag:$0x2], $0x2000, $0x38;
	[tilespmem:$0x1A100] =	vst v63  }
0x44: {  	_ =	swait.ge [sflag:s6], $0x2000  }
0x45: {  	[sflag:s6] =	ssyncset.done $0x0  }
0x46: {  	[sflag:s6] =	ssyncadd.s32 $0xFFFFE000  }
0x47: {  	[spmem:s31] =	stream.linear.scatter [tilespmem:s5], [sflag:$0x2], $0x2000, $0x38;
	[tilespmem:$0x1A100] =	vst v63  }
0x48: {  	_ =	swait.ge [sflag:s6], $0x2000  }
0x49: {  	[sflag:s6] =	ssyncset.done $0x0  }
0x4a: {  	[sflag:s6] =	ssyncadd.s32 $0xFFFFE000  }
0x4b: {  	[spmem:s11] =	stream.linear.scatter [tilespmem:s5], [sflag:$0x2], $0x2000, $0x38;
	[tilespmem:$0x1A100] =	vst v63  }
0x4c: {  	_ =	swait.ge [sflag:s6], $0x2000  }
0x4d: {  	[sflag:s6] =	ssyncset.done $0x0  }
0x4e: {  	[sflag:s6] =	ssyncadd.s32 $0xFFFFE000  }
0x4f: {  	[spmem:s0] =	stream.linear.scatter [tilespmem:s5], [sflag:$0x2], $0x2000, $0x38;
	[tilespmem:$0x1A100] =	vst v63  }
0x50: {  	_ =	swait.ge [sflag:s6], $0x2000  }
0x51: {  	[sflag:s6] =	ssyncset.done $0x0  }
0x52: {  	[sflag:s6] =	ssyncadd.s32 $0xFFFFE000  }
0x53: {  	[spmem:s2] =	stream.linear.scatter [tilespmem:s5], [sflag:$0x2], $0x2000, $0x38;
	[tilespmem:$0x1A100] =	vst v63  }
0x54: {  	_ =	swait.ge [sflag:s6], $0x2000  }
0x55: {  	[sflag:s6] =	ssyncset.done $0x0  }
0x56: {  	[sflag:s6] =	ssyncadd.s32 $0xFFFFE000  }
0x57: {  	[spmem:s3] =	stream.linear.scatter [tilespmem:s5], [sflag:$0x2], $0x2000, $0x38;
	[tilespmem:$0x1A100] =	vst v63  }
0x58: {  	_ =	swait.ge [sflag:s6], $0x2000  }
0x59: {  	[sflag:s6] =	ssyncset.done $0x0  }
0x5a: {  	[sflag:s6] =	ssyncadd.s32 $0xFFFFE000  }
0x5b: {  	[spmem:s4] =	stream.linear.scatter [tilespmem:s5], [sflag:$0x2], $0x2000, $0x38;
	[tilespmem:$0x1A100] =	vst v63  }
0x5c: {  	_ =	swait.ge [sflag:s6], $0x2000  }
0x5d: {  	[sflag:s6] =	ssyncset.done $0x0  }
0x5e: {  	[sflag:s6] =	ssyncadd.s32 $0xFFFFE000  }
0x5f: {  	s19 =	sadd.s32 $0x0, s17;
	[bflag:$0x0] =	sbarrier.arrive $0xFFFF  }
0x60: {  	[tilespmem:s1], [sflag:$0x2] =	stream.linear.gather [hbm4b:s19+s1], $0x100, $0x38;
	[tilespmem:$0x1A100] =	vst v63  }
0x61: {  	_ =	swait.ge [sflag:s6], $0x100  }
0x62: {  	[sflag:s6] =	ssyncset.done $0x0  }
0x63: {  	[sflag:s6] =	ssyncadd.s32 $0xFFFFFF00  }
0x64: {  	[tilespmem:s8], [sflag:$0x1] =	stream.indirect.gather [hbm4b:s14+s7], $0x80, s1, s7, $0xb8;
	[tilespmem:$0x1A100] =	vst v63  }
0x65: {  	_ =	swait.ge [sflag:s9], $0x4000  }
0x66: {  	[sflag:s9] =	ssyncset.done $0x0  }
0x67: {  	[sflag:s9] =	ssyncadd.s32 $0xFFFFC000  }
0x68: {  	[spmem:s12] =	stream.indirect.scatter.add.f32 [tilespmem:s8], [sflag:$0x2], $0x80, s7, s7, $0xb8;
	[tilespmem:$0x1A100] =	vst v63  }
0x69: {  	_ =	swait.ge [sflag:s6], $0x4000  }
0x6a: {  	s13 =	simm.s32 $0x20;
	s16 =	simm.s32 $0x40;
	[sflag:s6] =	ssyncset.done $0x0  }
.LBB2_4:
0x6b: {  	s18 =	sadd.s32 s13, s17  }
0x6c: {  	[sflag:s6] =	ssyncadd.s32 $0xFFFFC000;
	s13 =	smov.u32 s16;
	s19 =	sadd.s32 $0x20, s16  }
0x6d: {  	[tilespmem:s1], [sflag:$0x2] =	stream.linear.gather [hbm4b:s18+s1], $0x100, $0x38;
	[tilespmem:$0x1A100] =	vst v63  }
0x6e: {  	p0 =	sne.s32 s16, $0x9E0;
	_ =	swait.ge [sflag:s6], $0x100  }
0x6f: {  	[sflag:s6] =	ssyncset.done $0x0  }
0x70: {  	[sflag:s6] =	ssyncadd.s32 $0xFFFFFF00  }
0x71: {  	[tilespmem:s8], [sflag:$0x1] =	stream.indirect.gather [hbm4b:s14+s7], $0x80, s1, s7, $0xb8;
	[tilespmem:$0x1A100] =	vst v63  }
0x72: {  	_ =	swait.ge [sflag:s9], $0x4000  }
.Ltmp1:
0x73: {  	[sflag:s9] =	ssyncset.done $0x0;
	(pc) =	sbr.rel @p0 .LBB2_4-.Ltmp1, $4  }
0x74: {  	[sflag:s9] =	ssyncadd.s32 $0xFFFFC000  }
0x75: {  	[spmem:s12] =	stream.indirect.scatter.add.f32 [tilespmem:s8], [sflag:$0x2], $0x80, s7, s7, $0xb8;
	[tilespmem:$0x1A100] =	vst v63  }
0x76: {  	_ =	swait.ge [sflag:s6], $0x4000  }
0x77: {  	s16 =	smov.u32 s19;
	[sflag:s6] =	ssyncset.done $0x0  }
0x78: {  	s13 =	sadd.s32 s13, s17;
	[sflag:s6] =	ssyncadd.s32 $0xFFFFC000  }
0x79: {  	[tilespmem:s1], [sflag:$0x2] =	stream.linear.gather [hbm4b:s13+s1], $0x100, $0x38;
	[tilespmem:$0x1A100] =	vst v63  }
0x7a: {  	_ =	swait.ge [sflag:s6], $0x100  }
0x7b: {  	[sflag:s6] =	ssyncset.done $0x0  }
0x7c: {  	[sflag:s6] =	ssyncadd.s32 $0xFFFFFF00  }
0x7d: {  	[tilespmem:s8], [sflag:$0x1] =	stream.indirect.gather [hbm4b:s14+s7], $0x80, s1, s7, $0xb8;
	[tilespmem:$0x1A100] =	vst v63  }
0x7e: {  	_ =	swait.ge [sflag:s9], $0x4000  }
0x7f: {  	[sflag:s9] =	ssyncset.done $0x0  }
0x80: {  	[sflag:s9] =	ssyncadd.s32 $0xFFFFC000  }
0x81: {  	[spmem:s12] =	stream.indirect.scatter.add.f32 [tilespmem:s8], [sflag:$0x2], $0x80, s7, s7, $0xb8;
	[tilespmem:$0x1A100] =	vst v63  }
0x82: {  	_ =	swait.ge [sflag:s6], $0x4000  }
0x83: {  	[sflag:s6] =	ssyncset.done $0x0  }
0x84: {  	s16 =	stileid.u32;
	[sflag:s6] =	ssyncadd.s32 $0xFFFFC000  }
0x85: {  	s13 =	sshll.u32 s16, $0x6;
	[bflag:$0x0] =	sbarrier.arrive $0xFFFF  }
0x86: {  	s16 =	sshrl.u32 s15, $0x3;
	s13 =	sor.u32 $0x1C02, s13;
	s18 =	rddreg [dreg:$0x3]  }
0x87: {  	[hbm:s18], [sflag:s13] =	dma.local [spmem:s16], $0x400  }
0x88: {  	_ =	swait.ge [sflag:s6], $0x400  }
0x89: {  	[sflag:s6] =	ssyncset.done $0x0;
	s18 =	rddreg [dreg:$0x4]  }
0x8a: {  	s19 =	rddreg [dreg:$0xe];
	[sflag:s6] =	ssyncadd.s32 $0xFFFFFC00  }
0x8b: {  	[hbm:s18], [sflag:s13] =	dma.local [spmem:s19], $0x400  }
0x8c: {  	_ =	swait.ge [sflag:s6], $0x400  }
0x8d: {  	[sflag:s6] =	ssyncset.done $0x0;
	s18 =	rddreg [dreg:$0x5]  }
0x8e: {  	s19 =	rddreg [dreg:$0xf];
	[sflag:s6] =	ssyncadd.s32 $0xFFFFFC00  }
0x8f: {  	[hbm:s18], [sflag:s13] =	dma.local [spmem:s19], $0x400  }
0x90: {  	_ =	swait.ge [sflag:s6], $0x400  }
0x91: {  	[sflag:s6] =	ssyncset.done $0x0  }
0x92: {  	s18 =	rddreg [dreg:$0x6];
	[sflag:s6] =	ssyncadd.s32 $0xFFFFFC00  }
0x93: {  	[hbm:s18], [sflag:s13] =	dma.local [spmem:s20], $0x400  }
0x94: {  	_ =	swait.ge [sflag:s6], $0x400  }
0x95: {  	[sflag:s6] =	ssyncset.done $0x0  }
0x96: {  	s19 =	rddreg [dreg:$0x7];
	[sflag:s6] =	ssyncadd.s32 $0xFFFFFC00  }
0x97: {  	[hbm:s19], [sflag:s13] =	dma.local [spmem:s21], $0x400  }
0x98: {  	_ =	swait.ge [sflag:s6], $0x400  }
0x99: {  	[sflag:s6] =	ssyncset.done $0x0  }
0x9a: {  	s18 =	rddreg [dreg:$0x8];
	[sflag:s6] =	ssyncadd.s32 $0xFFFFFC00  }
0x9b: {  	[hbm:s18], [sflag:s13] =	dma.local [spmem:s22], $0x400  }
0x9c: {  	_ =	swait.ge [sflag:s6], $0x400  }
0x9d: {  	[sflag:s6] =	ssyncset.done $0x0  }
0x9e: {  	s19 =	rddreg [dreg:$0x9];
	[sflag:s6] =	ssyncadd.s32 $0xFFFFFC00  }
0x9f: {  	[hbm:s19], [sflag:s13] =	dma.local [spmem:s23], $0x400  }
0xa0: {  	_ =	swait.ge [sflag:s6], $0x400  }
0xa1: {  	[sflag:s6] =	ssyncset.done $0x0  }
0xa2: {  	s18 =	rddreg [dreg:$0xa];
	[sflag:s6] =	ssyncadd.s32 $0xFFFFFC00  }
0xa3: {  	[hbm:s18], [sflag:s13] =	dma.local [spmem:s24], $0x400  }
0xa4: {  	_ =	swait.ge [sflag:s6], $0x400  }
0xa5: {  	[sflag:s6] =	ssyncset.done $0x0  }
0xa6: {  	s19 =	rddreg [dreg:$0xb];
	[sflag:s6] =	ssyncadd.s32 $0xFFFFFC00  }
0xa7: {  	[hbm:s19], [sflag:s13] =	dma.local [spmem:s25], $0x400  }
0xa8: {  	_ =	swait.ge [sflag:s6], $0x400  }
0xa9: {  	[sflag:s6] =	ssyncset.done $0x0  }
0xaa: {  	s18 =	rddreg [dreg:$0xc];
	[sflag:s6] =	ssyncadd.s32 $0xFFFFFC00  }
0xab: {  	[hbm:s18], [sflag:s13] =	dma.local [spmem:s26], $0x400  }
0xac: {  	_ =	swait.ge [sflag:s6], $0x400  }
0xad: {  	s10 =	sadd.s32 $0x1, s10;
	s19 =	rddreg [dreg:$0xd]  }
0xae: {  	p0 =	sne.s32 s10, s19  }
.Ltmp2:
0xaf: {  	_ = 	snop;
	(pc) =	sbr.rel @p0 .LBB2_1-.Ltmp2, $3  }
0xb0: {  	_ =	sdelay $0x1  }
0xb1: {  	[sflag:s6] =	ssyncset.done $0x0  }
0xb2: {  	[sflag:s6] =	ssyncadd.s32 $0xFFFFFC00  }
0xb3: {  	_ =	sfence.sel $0x180000  }
0xb4: {  	[bflag:$0x0] =	sbarrier.arrive $0xFFFF  }
0xb5: {  	_ =	strace $0x9000004A  }
0xb6: {  	s0 =	stileid.u32;
	[bflag:$0x2] =	sbarrier.arrive $0xFFFF  }
0xb7: {  	p0 =	sne.s32 s0, $0x0;
	s0 =	rddreg [dreg:$0x2]  }
0xb8: {  	s0 =	sadd.s32 @!p0 $0x100000, s0  }
0xb9: {  	[sflag:s0] =	ssyncadd.tile.s32 @!p0 $0x1;
	_ =	shalt  }
.Lfunc_end2:
_tile_overlayer_lowered:
.L_overlay_start_2:
0xba: {  	(tag) =	ssettag $0x2  }
0xbb: {  	s0 =	rddreg [dreg:$0x0];
	s2 =	stileid.u32  }
0xbc: {  	s1 =	rddreg [dreg:$0x1];
	p0 =	sne.s32 s2, $0x0  }
0xbd: {  	s3 =	rddreg [dreg:$0x2];
	[bflag:$0x3] =	sbarrier.arrive $0xFFFF;
	s2 =	simm.s32 @!p0 $0x1C02  }
0xbe: {  	[timem:s3], [sflag:s2] =	dma.local @!p0 [hbm:s0], s1  }
0xbf: {  	s0 =	simm.s32 @!p0 $0x2  }
0xc0: {  	_ =	swait.ge @!p0 [sflag:s0], s1  }
0xc1: {  	s1 =	ssub.s32 @!p0 $0x0, s1;
	[sflag:s0] =	ssyncset.done @!p0 $0x0  }
0xc2: {  	[sflag:s0] =	ssyncadd.s32 @!p0 s1  }
0xc3: {  	[bflag:$0x3] =	sbarrier.arrive $0xFFFF  }
0xc4: {  	_ =	shalt  }

// kernel: kernel.16.cloned.1.call-start
scs
__scs_entry_jumppad:
0x0: {  	(pc) =	sbr.rel $0x88, $3  }
0x1: {  	(tag) =	ssettag $0x0;
	lr =	simm.s32 $0x1  }
0x2: {  	[smem:$0x3F96] =	sst lr;
	_ =	strace $0xD0000000  }
0x3: {  	_ = 	snop  }
0x4: {  	_ = 	snop  }
0x5: {  	_ = 	snop  }
0x6: {  	_ = 	snop  }
0x7: {  	_ = 	snop  }
__scs_overlays_trampoline_lowered:
0x8: {  	[smem:$0x3FA5] =	sst s0  }
0x9: {  	[smem:$0x3FA6] =	sst s1  }
0xa: {  	[smem:$0x3FA7] =	sst s2  }
0xb: {  	[smem:$0x3FA8] =	sst s3  }
0xc: {  	[smem:$0x3FA9] =	sst s4  }
0xd: {  	[smem:$0x3FAA] =	sst s5  }
0xe: {  	[smem:$0x3FAB] =	sst s6  }
0xf: {  	[smem:$0x3FAC] =	sst s7  }
0x10: {  	[smem:$0x3FAD] =	sst s8  }
0x11: {  	[smem:$0x3FAE] =	sst s9;
	s0 =	simm.s32 @!p0 $0x0  }
0x12: {  	s1 =	sld [smem:$0x3F94];
	s0 =	simm.s32 @p0 $0x1  }
0x13: {  	[smem:$0x3FAF] =	sst s0;
	s0 =	simm.s32 @!p1 $0x0  }
0x14: {  	s2 =	sld [smem:$0x3F93];
	s0 =	simm.s32 @p1 $0x1  }
0x15: {  	[smem:$0x3FB0] =	sst s0;
	s0 =	simm.s32 @!p2 $0x0  }
0x16: {  	s3 =	sld [smem:$0x3FDB];
	s0 =	simm.s32 @p2 $0x1  }
0x17: {  	s4 =	simm.s32 $0x1BF5;
	[smem:$0x3FB2] =	sst s0  }
0x18: {  	s0 =	sld [smem:$0x3F95];
	_ =	swait.ge [sflag:s4], $0x0  }
0x19: {  	s7 =	sld [smem:$0x3F96]  }
0x1a: {  	s8 =	sadd.s32 $0xFFFFE003, lr  }
0x1b: {  	s9 =	sadd.s32 $0xFFFFFEF7, lr;
	s5 =	simm.s32 $0xFFFFFFFF;
	p2 =	slt.u32 s8, $0xFFFFF086  }
0x1c: {  	p1 =	slt.u32 s9, $0xF7A;
	s5 =	simm.s32 @!p2 $0x0  }
0x1d: {  	s5 =	simm.s32 @p1 $0x1;
	p0 =	seq.s32 s7, s2  }
0x1e: {  	s7 =	smul.u32 @!p0 $0xF7A, s2;
	p2 =	seq.s32 @!p0 s5, $0x0  }
0x1f: {  	s9 =	smul.u32 $0xF7A, s1;
	s8 =	simm.s32 @!p0 $0x1BF5;
	p2 =	por !p2, p0  }
0x20: {  	[sflag:s8] =	ssyncset.s32 @!p0 $0xFFFFF086;
	s6 =	sadd.s32 @!p0 s3, s7;
	s7 =	simm.s32 @!p0 $0x108  }
0x21: {  	s3 =	sadd.s32 s3, s9;
	s6 =	sadd.s32 @!p0 $0x88, s6;
	s7 =	simm.s32 @p2 $0x1082  }
0x22: {  	[simem:s7], [sflag:s8] =	dma.local @!p0 [hbm:s6], $0xF7A  }
0x23: {  	s9 =	sor.u32 $0xD0000000, s2;
	s6 =	simm.s32 $0x108;
	_ =	swait.ge @!p0 [sflag:s8], $0x0  }
0x24: {  	s3 =	sadd.s32 $0x88, s3;
	s6 =	simm.s32 @!p1 $0x1082;
	[sflag:s4] =	ssyncset.s32 $0xFFFFF086  }
0x25: {  	[simem:s6], [sflag:s4] =	dma.local [hbm:s3], $0xF7A  }
0x26: {  	[smem:$0x3F96] =	sst s1;
	(tag) =	ssettag s2;
	_ =	strace s9  }
0x27: {  	s1 =	sld [smem:$0x3FA6]  }
0x28: {  	s2 =	sld [smem:$0x3FA7]  }
0x29: {  	s4 =	sld [smem:$0x3FA9]  }
0x2a: {  	p0 =	seq.s32 s5, $0x0;
	s5 =	sld [smem:$0x3FAA]  }
0x2b: {  	s6 =	sld [smem:$0x3FAB]  }
0x2c: {  	s7 =	sld [smem:$0x3FAC]  }
0x2d: {  	s3 =	simm.s32 $0x108;
	s8 =	sld [smem:$0x3FAD]  }
0x2e: {  	s3 =	simm.s32 @!p0 $0x1082;
	s9 =	sld [smem:$0x3FAE]  }
0x2f: {  	lr =	sadd.s32 s0, s3;
	s0 =	sld [smem:$0x3FA5]  }
0x30: {  	s3 =	sld [smem:$0x3FA8]  }
0x31: {  	[smem:$0x3FB1] =	sst s10  }
0x32: {  	s10 =	sld [smem:$0x3FAF];
	_ =	sdelay $0x3  }
0x33: {  	p0 =	seq.s32 s10, $0x1;
	s10 =	sld [smem:$0x3FB1];
	_ =	sdelay $0x3  }
0x34: {  	[smem:$0x3FB1] =	sst s10  }
0x35: {  	s10 =	sld [smem:$0x3FB0];
	_ =	sdelay $0x3  }
0x36: {  	p1 =	seq.s32 s10, $0x1;
	s10 =	sld [smem:$0x3FB1];
	_ =	sdelay $0x3  }
0x37: {  	[smem:$0x3FB1] =	sst s10  }
0x38: {  	s10 =	sld [smem:$0x3FB2]  }
0x39: {  	_ = 	snop;
	(pc) =	sbr.ind lr, $3  }
0x3a: {  	_ = 	snop  }
0x3b: {  	_ = 	snop  }
0x3c: {  	p2 =	seq.s32 s10, $0x1;
	s10 =	sld [smem:$0x3FB1]  }
0x3d: {  	_ =	shalt  }
0x3e: {  	_ =	shalt  }
0x3f: {  	_ =	shalt  }
0x40: {  	_ =	shalt  }
0x41: {  	_ =	shalt  }
0x42: {  	_ =	shalt  }
0x43: {  	_ =	shalt  }
0x44: {  	_ =	shalt  }
0x45: {  	_ =	shalt  }
0x46: {  	_ =	shalt  }
0x47: {  	_ =	shalt  }
0x48: {  	_ =	shalt  }
0x49: {  	_ =	shalt  }
0x4a: {  	_ =	shalt  }
0x4b: {  	_ =	shalt  }
0x4c: {  	_ =	shalt  }
0x4d: {  	_ =	shalt  }
0x4e: {  	_ =	shalt  }
0x4f: {  	_ =	shalt  }
0x50: {  	_ =	shalt  }
0x51: {  	_ =	shalt  }
0x52: {  	_ =	shalt  }
0x53: {  	_ =	shalt  }
0x54: {  	_ =	shalt  }
0x55: {  	_ =	shalt  }
0x56: {  	_ =	shalt  }
0x57: {  	_ =	shalt  }
0x58: {  	_ =	shalt  }
0x59: {  	_ =	shalt  }
0x5a: {  	_ =	shalt  }
0x5b: {  	_ =	shalt  }
0x5c: {  	_ =	shalt  }
0x5d: {  	_ =	shalt  }
0x5e: {  	_ =	shalt  }
0x5f: {  	_ =	shalt  }
0x60: {  	_ =	shalt  }
0x61: {  	_ =	shalt  }
0x62: {  	_ =	shalt  }
0x63: {  	_ =	shalt  }
0x64: {  	_ =	shalt  }
0x65: {  	_ =	shalt  }
0x66: {  	_ =	shalt  }
0x67: {  	_ =	shalt  }
0x68: {  	_ =	shalt  }
0x69: {  	_ =	shalt  }
0x6a: {  	_ =	shalt  }
0x6b: {  	_ =	shalt  }
0x6c: {  	_ =	shalt  }
0x6d: {  	_ =	shalt  }
0x6e: {  	_ =	shalt  }
0x6f: {  	_ =	shalt  }
0x70: {  	_ =	shalt  }
0x71: {  	_ =	shalt  }
0x72: {  	_ =	shalt  }
0x73: {  	_ =	shalt  }
0x74: {  	_ =	shalt  }
0x75: {  	_ =	shalt  }
0x76: {  	_ =	shalt  }
0x77: {  	_ =	shalt  }
0x78: {  	_ =	shalt  }
0x79: {  	_ =	shalt  }
0x7a: {  	_ =	shalt  }
0x7b: {  	_ =	shalt  }
0x7c: {  	_ =	shalt  }
0x7d: {  	_ =	shalt  }
0x7e: {  	_ =	shalt  }
0x7f: {  	_ =	shalt  }
0x80: {  	_ =	shalt  }
0x81: {  	_ =	shalt  }
0x82: {  	_ =	shalt  }
0x83: {  	_ =	shalt  }
0x84: {  	_ =	shalt  }
0x85: {  	_ =	shalt  }
0x86: {  	_ =	shalt  }
0x87: {  	_ =	shalt  }
.Lfunc_end0:
.L_simem_size_0:
called_computation.2_lowered:
.L_overlay_start_0:
0x88: {  	s2 =	sld [smem:$0x3FD9]  }
0x89: {  	s3 =	sld [smem:$0x3FFE];
	_ =	sdelay $0x1  }
0x8a: {  	s1 =	srdreg.scid  }
0x8b: {  	s0 =	sand.u32 $0x1, s1  }
0x8c: {  	s16 =	sshll.u32 s0, $0xA;
	s2 =	sadd.s32 s3, s2  }
0x8d: {  	s2 =	sadd.s32 s2, s16  }
0x8e: {  	[smem:$0x3FBD] =	sst s2  }
0x8f: {  	_ = 	snop  }
0x90: {  	(tm) =	ssettm $0x1  }
0x91: {  	s17 =	sld [smem:$0x3FFB];
	_ =	sdelay $0x3  }
0x92: {  	_ =	strace s17  }
0x93: {  	s2 =	sld [smem:$0x3FFC];
	_ =	sdelay $0x3  }
0x94: {  	_ =	strace s2  }
0x95: {  	s2 =	sld [smem:$0x3FFD];
	_ =	sdelay $0x3  }
0x96: {  	_ =	strace s2  }
0x97: {  	_ =	strace $0x8FFFFFFF  }
0x98: {  	s18 =	sld [smem:$0x3FDB];
	_ =	sdelay $0x1  }
0x99: {  	s19 =	simm.s32 $_scs_section_size  }
0x9a: {  	s4 =	simm.s32 $_size__tile_overlayer_lowered;
	s5 =	simm.s32 $_tile_overlayer_lowered  }
0x9b: {  	s22 =	simm.s32 $0x1BFF;
	s21 =	sshll.u32 s5, $0x1;
	s2 =	sadd.s32 s19, s18  }
0x9c: {  	s6 =	simm.s32 $0x0;
	s20 =	sshll.u32 s4, $0x1;
	s4 =	sadd.s32 s21, s2  }
0x9d: {  	[timem:s6], [sflag:s22] =	dma.local [hbm:s4], s20  }
0x9e: {  	_ =	swait.ge [sflag:s22], s20  }
0x9f: {  	s3 =	ssub.s32 $0x0, s20;
	[sflag:s22] =	ssyncset.done $0x0  }
0xa0: {  	[sflag:s22] =	ssyncadd.s32 s3;
	_ =	sdelay $0x1  }
0xa1: {  	s23 =	simm.s32 $0x1B8B  }
0xa2: {  	_ =	swait.ge [sflag:s23], $0x1  }
0xa3: {  	[sflag:s23] =	ssyncset.done $0x0  }
0xa4: {  	s25 =	simm.s32 $0x1B8E;
	s24 =	sld [smem:$0x3FFE];
	[sflag:s23] =	ssyncadd.s32 $0xFFFFFFFF  }
0xa5: {  	s26 =	simm.s32 $execute0_lowered;
	[smem:$0x3FD2] =	sst s25  }
0xa6: {  	s4 =	sshll.u32 s26, $0x1;
	_ =	strace $0x8000004C;
	[dreg:$0x1] =	wrdreg $0xFFFFFFFF  }
0xa7: {  	s28 =	simm.s32 $_size_execute0_lowered;
	s2 =	sadd.s32 s2, s4;
	[dreg:$0x0] =	wrdreg $0x0  }
0xa8: {  	s4 =	sshll.u32 s28, $0x1;
	[dreg:$0x2] =	wrdreg s2  }
0xa9: {  	[dreg:$0x3] =	wrdreg s4  }
0xaa: {  	[dreg:$0x4] =	wrdreg $0xC0  }
0xab: {  	_ =	task [dreg:s6], $0x5FFFF  }
0xac: {  	[dreg:$0x1] =	wrdreg $0xFFFFFFFF  }
0xad: {  	[dreg:$0x0] =	wrdreg $0x60  }
0xae: {  	[dreg:$0x2] =	wrdreg s24  }
0xaf: {  	[dreg:$0x3] =	wrdreg $0x61000  }
0xb0: {  	[dreg:$0x4] =	wrdreg $0x9  }
0xb1: {  	_ =	task.clear_ibuf [dreg:s6], $0x5FFFF;
	_ =	strace $0x9000004C  }
0xb2: {  	s29 =	simm.s32 $0x9;
	_ =	strace $0x8000004E  }
0xb3: {  	_ =	swait.ge [sflag:s29], $0x1  }
0xb4: {  	[sflag:s29] =	ssyncadd.s32 $0xFFFFFFFF  }
0xb5: {  	_ =	strace $0x9000004E  }
0xb6: {  	_ =	sfence  }
0xb7: {  	s30 =	sld [smem:$0x0];
	_ =	sdelay $0x2  }
0xb8: {  	s31 =	sshll.u32 s1, $0xD;
	s1 =	sshrl.u32 s1, $0x2  }
0xb9: {  	s3 =	sand.u32 $0x4000, s31;
	s1 =	sadd.s32 s1, s30  }
0xba: {  	s0 =	sor.u32 s3, s0;
	s1 =	sshll.u32 s1, $0x11  }
0xbb: {  	s0 =	sor.u32 s1, s0  }
0xbc: {  	s0 =	sadd.s32 $0x8F2B, s0  }
0xbd: {  	[sflag:s0] =	ssyncadd.remote.s32 $0x1  }
0xbe: {  	_ =	sfence.sel $0xFFFF  }
0xbf: {  	[dreg:$0x0] =	wrdreg $0xFFFFFFFF;
	(pc) =	sbr.abs _section_cstart, $3  }
0xc0: {  	[dreg:$0x1] =	wrdreg $0xFFFFFFFF  }
0xc1: {  	_ =	task.clear_ibuf [dreg:s6], $0x2FFFF;
	_ =	strace $0x9FFFFFFF  }
0xc2: {  	(tm) =	ssettm $0x7FFFFFFF  }
0xc3: {  	_ =	shalt  }
tec
execute0_lowered:
.L_overlay_start_1:
0x0: {  	(tag) =	ssettag $0x1  }
0x1: {  	s14 =	stileid.u32;
	s0 =	srdreg.scid  }
0x2: {  	s3 =	rddreg [dreg:$0x0];
	s2 =	smul.u32 $0x1400, s14  }
0x3: {  	s1 =	simm.s32 $0x0;
	s0 =	sand.u32 $0x1, s0;
	s6 =	smul.u32 $0x14000, s14  }
0x4: {  	[smem:$0x7FF] =	sst s1;
	s7 =	sadd.s32 $0x8E400, s3;
	s26 =	smul.u32 $0x50000, s14  }
0x5: {  	s14 =	sadd.s32 $0x67200, s3;
	s4 =	smul.u32 $0x140000, s0;
	s5 =	ssub.s32 $0x2, s0  }
0x6: {  	s0 =	smul.u32 $0xA00, s0;
	s2 =	sadd.s32 s2, s3;
	s8 =	sshrl.u32 s5, $0x1  }
0x7: {  	s9 =	sor.u32 $0x2000, s6;
	s11 =	sadd.s32 $0x4000, s6;
	s5 =	ssub.s32 s5, s8  }
0x8: {  	s12 =	sadd.s32 s4, s6;
	s10 =	sadd.s32 s4, s9;
	s15 =	sadd.s32 s4, s11  }
0x9: {  	s0 =	sadd.s32 s0, s2;
	s8 =	sshrl.u32 s12, $0x3;
	s13 =	sshrl.u32 s10, $0x3  }
0xa: {  	s16 =	sshrl.u32 s15, $0x3;
	s10 =	sadd.s32 $0x6000, s6;
	s8 =	sadd.s32 s7, s8  }
0xb: {  	s17 =	sadd.s32 s4, s10;
	[dreg:$0x3] =	wrdreg s8;
	s8 =	sadd.s32 s7, s13  }
0xc: {  	s13 =	sadd.s32 $0x8000, s6;
	[dreg:$0x4] =	wrdreg s8;
	s8 =	sadd.s32 s7, s16  }
0xd: {  	s12 =	sadd.s32 s4, s13;
	s16 =	sadd.s32 $0xA000, s6;
	[dreg:$0x5] =	wrdreg s8  }
0xe: {  	s8 =	sshrl.u32 s17, $0x3;
	s18 =	sshrl.u32 s12, $0x3;
	s19 =	sadd.s32 s4, s16  }
0xf: {  	s17 =	sadd.s32 $0xC000, s6;
	s12 =	rddreg [dreg:$0x1];
	s8 =	sadd.s32 s7, s8  }
0x10: {  	s20 =	sshrl.u32 s19, $0x3;
	s21 =	sadd.s32 s4, s17;
	s19 =	sadd.s32 $0x10000, s6  }
0x11: {  	s10 =	sadd.s32 s10, s12;
	[dreg:$0x6] =	wrdreg s8;
	s8 =	sadd.s32 s7, s18  }
0x12: {  	s18 =	sadd.s32 $0xE000, s6;
	s24 =	sadd.s32 s4, s19;
	s6 =	sadd.s32 $0x12000, s6  }
0x13: {  	s19 =	sadd.s32 s19, s12;
	[dreg:$0x7] =	wrdreg s8;
	s8 =	sadd.s32 s7, s20  }
0x14: {  	s22 =	sadd.s32 s4, s18;
	s25 =	sshrl.u32 s24, $0x3;
	s4 =	sadd.s32 s4, s6  }
0x15: {  	s18 =	sadd.s32 s18, s12;
	s6 =	sadd.s32 s6, s12;
	s20 =	sshrl.u32 s10, $0x3  }
0x16: {  	s10 =	simm.s32 $0x0;
	[dreg:$0x8] =	wrdreg s8;
	s8 =	sshrl.u32 s21, $0x3  }
0x17: {  	s23 =	sshrl.u32 s22, $0x3;
	s4 =	sshrl.u32 s4, $0x3;
	s8 =	sadd.s32 s7, s8  }
0x18: {  	s24 =	sshrl.u32 s18, $0x3;
	s4 =	sadd.s32 s7, s4;
	[dreg:$0x9] =	wrdreg s8  }
0x19: {  	s8 =	sadd.s32 s7, s23;
	[dreg:$0xc] =	wrdreg s4;
	s4 =	sshrl.u32 s26, $0x2  }
0x1a: {  	[dreg:$0xa] =	wrdreg s8;
	s8 =	sadd.s32 s7, s25;
	s15 =	sadd.s32 s4, s12  }
0x1b: {  	s7 =	smax.u32 s5, $0x1;
	s5 =	simm.s32 $0x4100;
	[dreg:$0xb] =	wrdreg s8  }
0x1c: {  	s8 =	sadd.s32 s9, s12;
	s9 =	sadd.s32 s11, s12;
	s11 =	sadd.s32 s13, s12  }
0x1d: {  	s13 =	sadd.s32 s16, s12;
	s16 =	sadd.s32 s17, s12;
	s17 =	sadd.s32 $0x3200, s0  }
0x1e: {  	s28 =	sadd.s32 $0x2000, s15;
	s29 =	sadd.s32 $0x4000, s15;
	s30 =	sadd.s32 $0x6000, s15  }
0x1f: {  	s31 =	sadd.s32 $0x8000, s15;
	s0 =	sadd.s32 $0xC000, s15;
	s2 =	sadd.s32 $0xE000, s15  }
0x20: {  	s3 =	sadd.s32 $0x10000, s15;
	s4 =	sadd.s32 $0x12000, s15;
	_ =	strace $0x8000004D  }
0x21: {  	[dreg:$0xd] =	wrdreg s7;
	s25 =	sshrl.u32 s8, $0x3;
	s26 =	sshrl.u32 s9, $0x3  }
0x22: {  	s21 =	sshrl.u32 s11, $0x3;
	s22 =	sshrl.u32 s13, $0x3;
	s23 =	sshrl.u32 s16, $0x3  }
0x23: {  	s11 =	sadd.s32 $0xA000, s15;
	s7 =	simm.s32 $0x80;
	[dreg:$0xe] =	wrdreg s25  }
0x24: {  	s8 =	simm.s32 $0x100;
	s9 =	simm.s32 $0x1;
	[dreg:$0xf] =	wrdreg s26  }
0x25: {  	v0 =	vimm.f32 $0.0e+00;
	s25 =	sshrl.u32 s19, $0x3;
	s26 =	sshrl.u32 s6, $0x3;
	s6 =	simm.s32 $0x2  }
.LBB2_1:
0x26: {  	s13 =	simm.s32 $0x0;
	s16 =	simm.s32 $0x200  }
.LBB2_2:
0x27: {  	p0 =	sne.s32 s16, $0x7E00;
	[tilespmem:s13+$0x4170] =	vst v0  }
0x28: {  	[tilespmem:s13+$0x4100] =	vst v0  }
0x29: {  	[tilespmem:s13+$0x4110] =	vst v0  }
.Ltmp0:
0x2a: {  	[tilespmem:s13+$0x4120] =	vst v0;
	(pc) =	sbr.rel @p0 .LBB2_2-.Ltmp0, $4  }
0x2b: {  	[tilespmem:s13+$0x4130] =	vst v0  }
0x2c: {  	[tilespmem:s13+$0x4140] =	vst v0  }
0x2d: {  	[tilespmem:s13+$0x4150] =	vst v0  }
0x2e: {  	[tilespmem:s13+$0x4160] =	vst v0;
	s13 =	sshra.s32 s16, $0x2;
	s16 =	sadd.s32 $0x200, s16  }
0x2f: {  	[tilespmem:s13+$0x4170] =	vst v0  }
0x30: {  	[tilespmem:s13+$0x4100] =	vst v0  }
0x31: {  	[tilespmem:s13+$0x4110] =	vst v0  }
0x32: {  	[tilespmem:s13+$0x4120] =	vst v0  }
0x33: {  	[tilespmem:s13+$0x4130] =	vst v0  }
0x34: {  	[tilespmem:s13+$0x4140] =	vst v0  }
0x35: {  	[tilespmem:s13+$0x4150] =	vst v0  }
0x36: {  	[tilespmem:s13+$0x4160] =	vst v0  }
0x37: {  	[spmem:s15] =	stream.linear.scatter [tilespmem:s5], [sflag:$0x2], $0x2000, $0x38;
	[tilespmem:$0x1A100] =	vst v63  }
0x38: {  	_ =	swait.ge [sflag:s6], $0x2000  }
0x39: {  	[sflag:s6] =	ssyncset.done $0x0  }
0x3a: {  	[sflag:s6] =	ssyncadd.s32 $0xFFFFE000  }
0x3b: {  	[spmem:s28] =	stream.linear.scatter [tilespmem:s5], [sflag:$0x2], $0x2000, $0x38;
	[tilespmem:$0x1A100] =	vst v63  }
0x3c: {  	_ =	swait.ge [sflag:s6], $0x2000  }
0x3d: {  	[sflag:s6] =	ssyncset.done $0x0  }
0x3e: {  	[sflag:s6] =	ssyncadd.s32 $0xFFFFE000  }
0x3f: {  	[spmem:s29] =	stream.linear.scatter [tilespmem:s5], [sflag:$0x2], $0x2000, $0x38;
	[tilespmem:$0x1A100] =	vst v63  }
0x40: {  	_ =	swait.ge [sflag:s6], $0x2000  }
0x41: {  	[sflag:s6] =	ssyncset.done $0x0  }
0x42: {  	[sflag:s6] =	ssyncadd.s32 $0xFFFFE000  }
0x43: {  	[spmem:s30] =	stream.linear.scatter [tilespmem:s5], [sflag:$0x2], $0x2000, $0x38;
	[tilespmem:$0x1A100] =	vst v63  }
0x44: {  	_ =	swait.ge [sflag:s6], $0x2000  }
0x45: {  	[sflag:s6] =	ssyncset.done $0x0  }
0x46: {  	[sflag:s6] =	ssyncadd.s32 $0xFFFFE000  }
0x47: {  	[spmem:s31] =	stream.linear.scatter [tilespmem:s5], [sflag:$0x2], $0x2000, $0x38;
	[tilespmem:$0x1A100] =	vst v63  }
0x48: {  	_ =	swait.ge [sflag:s6], $0x2000  }
0x49: {  	[sflag:s6] =	ssyncset.done $0x0  }
0x4a: {  	[sflag:s6] =	ssyncadd.s32 $0xFFFFE000  }
0x4b: {  	[spmem:s11] =	stream.linear.scatter [tilespmem:s5], [sflag:$0x2], $0x2000, $0x38;
	[tilespmem:$0x1A100] =	vst v63  }
0x4c: {  	_ =	swait.ge [sflag:s6], $0x2000  }
0x4d: {  	[sflag:s6] =	ssyncset.done $0x0  }
0x4e: {  	[sflag:s6] =	ssyncadd.s32 $0xFFFFE000  }
0x4f: {  	[spmem:s0] =	stream.linear.scatter [tilespmem:s5], [sflag:$0x2], $0x2000, $0x38;
	[tilespmem:$0x1A100] =	vst v63  }
0x50: {  	_ =	swait.ge [sflag:s6], $0x2000  }
0x51: {  	[sflag:s6] =	ssyncset.done $0x0  }
0x52: {  	[sflag:s6] =	ssyncadd.s32 $0xFFFFE000  }
0x53: {  	[spmem:s2] =	stream.linear.scatter [tilespmem:s5], [sflag:$0x2], $0x2000, $0x38;
	[tilespmem:$0x1A100] =	vst v63  }
0x54: {  	_ =	swait.ge [sflag:s6], $0x2000  }
0x55: {  	[sflag:s6] =	ssyncset.done $0x0  }
0x56: {  	[sflag:s6] =	ssyncadd.s32 $0xFFFFE000  }
0x57: {  	[spmem:s3] =	stream.linear.scatter [tilespmem:s5], [sflag:$0x2], $0x2000, $0x38;
	[tilespmem:$0x1A100] =	vst v63  }
0x58: {  	_ =	swait.ge [sflag:s6], $0x2000  }
0x59: {  	[sflag:s6] =	ssyncset.done $0x0  }
0x5a: {  	[sflag:s6] =	ssyncadd.s32 $0xFFFFE000  }
0x5b: {  	[spmem:s4] =	stream.linear.scatter [tilespmem:s5], [sflag:$0x2], $0x2000, $0x38;
	[tilespmem:$0x1A100] =	vst v63  }
0x5c: {  	_ =	swait.ge [sflag:s6], $0x2000  }
0x5d: {  	[sflag:s6] =	ssyncset.done $0x0  }
0x5e: {  	[sflag:s6] =	ssyncadd.s32 $0xFFFFE000  }
0x5f: {  	s19 =	sadd.s32 $0x0, s17;
	[bflag:$0x0] =	sbarrier.arrive $0xFFFF  }
0x60: {  	[tilespmem:s1], [sflag:$0x2] =	stream.linear.gather [hbm4b:s19+s1], $0x100, $0x38;
	[tilespmem:$0x1A100] =	vst v63  }
0x61: {  	_ =	swait.ge [sflag:s6], $0x100  }
0x62: {  	[sflag:s6] =	ssyncset.done $0x0  }
0x63: {  	[sflag:s6] =	ssyncadd.s32 $0xFFFFFF00  }
0x64: {  	[tilespmem:s8], [sflag:$0x1] =	stream.indirect.gather [hbm4b:s14+s7], $0x80, s1, s7, $0xb8;
	[tilespmem:$0x1A100] =	vst v63  }
0x65: {  	_ =	swait.ge [sflag:s9], $0x4000  }
0x66: {  	[sflag:s9] =	ssyncset.done $0x0  }
0x67: {  	[sflag:s9] =	ssyncadd.s32 $0xFFFFC000  }
0x68: {  	[spmem:s12] =	stream.indirect.scatter.add.f32 [tilespmem:s8], [sflag:$0x2], $0x80, s7, s7, $0xb8;
	[tilespmem:$0x1A100] =	vst v63  }
0x69: {  	_ =	swait.ge [sflag:s6], $0x4000  }
0x6a: {  	s13 =	simm.s32 $0x20;
	s16 =	simm.s32 $0x40;
	[sflag:s6] =	ssyncset.done $0x0  }
.LBB2_4:
0x6b: {  	s18 =	sadd.s32 s13, s17  }
0x6c: {  	[sflag:s6] =	ssyncadd.s32 $0xFFFFC000;
	s13 =	smov.u32 s16;
	s19 =	sadd.s32 $0x20, s16  }
0x6d: {  	[tilespmem:s1], [sflag:$0x2] =	stream.linear.gather [hbm4b:s18+s1], $0x100, $0x38;
	[tilespmem:$0x1A100] =	vst v63  }
0x6e: {  	p0 =	sne.s32 s16, $0x9E0;
	_ =	swait.ge [sflag:s6], $0x100  }
0x6f: {  	[sflag:s6] =	ssyncset.done $0x0  }
0x70: {  	[sflag:s6] =	ssyncadd.s32 $0xFFFFFF00  }
0x71: {  	[tilespmem:s8], [sflag:$0x1] =	stream.indirect.gather [hbm4b:s14+s7], $0x80, s1, s7, $0xb8;
	[tilespmem:$0x1A100] =	vst v63  }
0x72: {  	_ =	swait.ge [sflag:s9], $0x4000  }
.Ltmp1:
0x73: {  	[sflag:s9] =	ssyncset.done $0x0;
	(pc) =	sbr.rel @p0 .LBB2_4-.Ltmp1, $4  }
0x74: {  	[sflag:s9] =	ssyncadd.s32 $0xFFFFC000  }
0x75: {  	[spmem:s12] =	stream.indirect.scatter.add.f32 [tilespmem:s8], [sflag:$0x2], $0x80, s7, s7, $0xb8;
	[tilespmem:$0x1A100] =	vst v63  }
0x76: {  	_ =	swait.ge [sflag:s6], $0x4000  }
0x77: {  	s16 =	smov.u32 s19;
	[sflag:s6] =	ssyncset.done $0x0  }
0x78: {  	s13 =	sadd.s32 s13, s17;
	[sflag:s6] =	ssyncadd.s32 $0xFFFFC000  }
0x79: {  	[tilespmem:s1], [sflag:$0x2] =	stream.linear.gather [hbm4b:s13+s1], $0x100, $0x38;
	[tilespmem:$0x1A100] =	vst v63  }
0x7a: {  	_ =	swait.ge [sflag:s6], $0x100  }
0x7b: {  	[sflag:s6] =	ssyncset.done $0x0  }
0x7c: {  	[sflag:s6] =	ssyncadd.s32 $0xFFFFFF00  }
0x7d: {  	[tilespmem:s8], [sflag:$0x1] =	stream.indirect.gather [hbm4b:s14+s7], $0x80, s1, s7, $0xb8;
	[tilespmem:$0x1A100] =	vst v63  }
0x7e: {  	_ =	swait.ge [sflag:s9], $0x4000  }
0x7f: {  	[sflag:s9] =	ssyncset.done $0x0  }
0x80: {  	[sflag:s9] =	ssyncadd.s32 $0xFFFFC000  }
0x81: {  	[spmem:s12] =	stream.indirect.scatter.add.f32 [tilespmem:s8], [sflag:$0x2], $0x80, s7, s7, $0xb8;
	[tilespmem:$0x1A100] =	vst v63  }
0x82: {  	_ =	swait.ge [sflag:s6], $0x4000  }
0x83: {  	[sflag:s6] =	ssyncset.done $0x0  }
0x84: {  	s16 =	stileid.u32;
	[sflag:s6] =	ssyncadd.s32 $0xFFFFC000  }
0x85: {  	s13 =	sshll.u32 s16, $0x6;
	[bflag:$0x0] =	sbarrier.arrive $0xFFFF  }
0x86: {  	s16 =	sshrl.u32 s15, $0x3;
	s13 =	sor.u32 $0x1C02, s13;
	s18 =	rddreg [dreg:$0x3]  }
0x87: {  	[hbm:s18], [sflag:s13] =	dma.local [spmem:s16], $0x400  }
0x88: {  	_ =	swait.ge [sflag:s6], $0x400  }
0x89: {  	[sflag:s6] =	ssyncset.done $0x0;
	s18 =	rddreg [dreg:$0x4]  }
0x8a: {  	s19 =	rddreg [dreg:$0xe];
	[sflag:s6] =	ssyncadd.s32 $0xFFFFFC00  }
0x8b: {  	[hbm:s18], [sflag:s13] =	dma.local [spmem:s19], $0x400  }
0x8c: {  	_ =	swait.ge [sflag:s6], $0x400  }
0x8d: {  	[sflag:s6] =	ssyncset.done $0x0;
	s18 =	rddreg [dreg:$0x5]  }
0x8e: {  	s19 =	rddreg [dreg:$0xf];
	[sflag:s6] =	ssyncadd.s32 $0xFFFFFC00  }
0x8f: {  	[hbm:s18], [sflag:s13] =	dma.local [spmem:s19], $0x400  }
0x90: {  	_ =	swait.ge [sflag:s6], $0x400  }
0x91: {  	[sflag:s6] =	ssyncset.done $0x0  }
0x92: {  	s18 =	rddreg [dreg:$0x6];
	[sflag:s6] =	ssyncadd.s32 $0xFFFFFC00  }
0x93: {  	[hbm:s18], [sflag:s13] =	dma.local [spmem:s20], $0x400  }
0x94: {  	_ =	swait.ge [sflag:s6], $0x400  }
0x95: {  	[sflag:s6] =	ssyncset.done $0x0  }
0x96: {  	s19 =	rddreg [dreg:$0x7];
	[sflag:s6] =	ssyncadd.s32 $0xFFFFFC00  }
0x97: {  	[hbm:s19], [sflag:s13] =	dma.local [spmem:s21], $0x400  }
0x98: {  	_ =	swait.ge [sflag:s6], $0x400  }
0x99: {  	[sflag:s6] =	ssyncset.done $0x0  }
0x9a: {  	s18 =	rddreg [dreg:$0x8];
	[sflag:s6] =	ssyncadd.s32 $0xFFFFFC00  }
0x9b: {  	[hbm:s18], [sflag:s13] =	dma.local [spmem:s22], $0x400  }
0x9c: {  	_ =	swait.ge [sflag:s6], $0x400  }
0x9d: {  	[sflag:s6] =	ssyncset.done $0x0  }
0x9e: {  	s19 =	rddreg [dreg:$0x9];
	[sflag:s6] =	ssyncadd.s32 $0xFFFFFC00  }
0x9f: {  	[hbm:s19], [sflag:s13] =	dma.local [spmem:s23], $0x400  }
0xa0: {  	_ =	swait.ge [sflag:s6], $0x400  }
0xa1: {  	[sflag:s6] =	ssyncset.done $0x0  }
0xa2: {  	s18 =	rddreg [dreg:$0xa];
	[sflag:s6] =	ssyncadd.s32 $0xFFFFFC00  }
0xa3: {  	[hbm:s18], [sflag:s13] =	dma.local [spmem:s24], $0x400  }
0xa4: {  	_ =	swait.ge [sflag:s6], $0x400  }
0xa5: {  	[sflag:s6] =	ssyncset.done $0x0  }
0xa6: {  	s19 =	rddreg [dreg:$0xb];
	[sflag:s6] =	ssyncadd.s32 $0xFFFFFC00  }
0xa7: {  	[hbm:s19], [sflag:s13] =	dma.local [spmem:s25], $0x400  }
0xa8: {  	_ =	swait.ge [sflag:s6], $0x400  }
0xa9: {  	[sflag:s6] =	ssyncset.done $0x0  }
0xaa: {  	s18 =	rddreg [dreg:$0xc];
	[sflag:s6] =	ssyncadd.s32 $0xFFFFFC00  }
0xab: {  	[hbm:s18], [sflag:s13] =	dma.local [spmem:s26], $0x400  }
0xac: {  	_ =	swait.ge [sflag:s6], $0x400  }
0xad: {  	s10 =	sadd.s32 $0x1, s10;
	s19 =	rddreg [dreg:$0xd]  }
0xae: {  	p0 =	sne.s32 s10, s19  }
.Ltmp2:
0xaf: {  	_ = 	snop;
	(pc) =	sbr.rel @p0 .LBB2_1-.Ltmp2, $3  }
0xb0: {  	_ =	sdelay $0x1  }
0xb1: {  	[sflag:s6] =	ssyncset.done $0x0  }
0xb2: {  	[sflag:s6] =	ssyncadd.s32 $0xFFFFFC00  }
0xb3: {  	_ =	sfence.sel $0x180000  }
0xb4: {  	[bflag:$0x0] =	sbarrier.arrive $0xFFFF  }
0xb5: {  	_ =	strace $0x9000004D  }
0xb6: {  	s0 =	stileid.u32;
	[bflag:$0x2] =	sbarrier.arrive $0xFFFF  }
0xb7: {  	p0 =	sne.s32 s0, $0x0;
	s0 =	rddreg [dreg:$0x2]  }
0xb8: {  	s0 =	sadd.s32 @!p0 $0x100000, s0  }
0xb9: {  	[sflag:s0] =	ssyncadd.tile.s32 @!p0 $0x1;
	_ =	shalt  }
.Lfunc_end2:
_tile_overlayer_lowered:
.L_overlay_start_2:
0xba: {  	(tag) =	ssettag $0x2  }
0xbb: {  	s0 =	rddreg [dreg:$0x0];
	s2 =	stileid.u32  }
0xbc: {  	s1 =	rddreg [dreg:$0x1];
	p0 =	sne.s32 s2, $0x0  }
0xbd: {  	s3 =	rddreg [dreg:$0x2];
	[bflag:$0x3] =	sbarrier.arrive $0xFFFF;
	s2 =	simm.s32 @!p0 $0x1C02  }
0xbe: {  	[timem:s3], [sflag:s2] =	dma.local @!p0 [hbm:s0], s1  }
0xbf: {  	s0 =	simm.s32 @!p0 $0x2  }
0xc0: {  	_ =	swait.ge @!p0 [sflag:s0], s1  }
0xc1: {  	s1 =	ssub.s32 @!p0 $0x0, s1;
	[sflag:s0] =	ssyncset.done @!p0 $0x0  }
0xc2: {  	[sflag:s0] =	ssyncadd.s32 @!p0 s1  }
0xc3: {  	[bflag:$0x3] =	sbarrier.arrive $0xFFFF  }
0xc4: {  	_ =	shalt  }

// kernel: kernel.19.cloned.1.call-start
scs
__scs_entry_jumppad:
0x0: {  	(pc) =	sbr.rel $0x88, $3  }
0x1: {  	(tag) =	ssettag $0x0;
	lr =	simm.s32 $0x1  }
0x2: {  	[smem:$0x3F96] =	sst lr;
	_ =	strace $0xD0000000  }
0x3: {  	_ = 	snop  }
0x4: {  	_ = 	snop  }
0x5: {  	_ = 	snop  }
0x6: {  	_ = 	snop  }
0x7: {  	_ = 	snop  }
__scs_overlays_trampoline_lowered:
0x8: {  	[smem:$0x3FA5] =	sst s0  }
0x9: {  	[smem:$0x3FA6] =	sst s1  }
0xa: {  	[smem:$0x3FA7] =	sst s2  }
0xb: {  	[smem:$0x3FA8] =	sst s3  }
0xc: {  	[smem:$0x3FA9] =	sst s4  }
0xd: {  	[smem:$0x3FAA] =	sst s5  }
0xe: {  	[smem:$0x3FAB] =	sst s6  }
0xf: {  	[smem:$0x3FAC] =	sst s7  }
0x10: {  	[smem:$0x3FAD] =	sst s8  }
0x11: {  	[smem:$0x3FAE] =	sst s9;
	s0 =	simm.s32 @!p0 $0x0  }
0x12: {  	s1 =	sld [smem:$0x3F94];
	s0 =	simm.s32 @p0 $0x1  }
0x13: {  	[smem:$0x3FAF] =	sst s0;
	s0 =	simm.s32 @!p1 $0x0  }
0x14: {  	s2 =	sld [smem:$0x3F93];
	s0 =	simm.s32 @p1 $0x1  }
0x15: {  	[smem:$0x3FB0] =	sst s0;
	s0 =	simm.s32 @!p2 $0x0  }
0x16: {  	s3 =	sld [smem:$0x3FDB];
	s0 =	simm.s32 @p2 $0x1  }
0x17: {  	s4 =	simm.s32 $0x1BF5;
	[smem:$0x3FB2] =	sst s0  }
0x18: {  	s0 =	sld [smem:$0x3F95];
	_ =	swait.ge [sflag:s4], $0x0  }
0x19: {  	s7 =	sld [smem:$0x3F96]  }
0x1a: {  	s8 =	sadd.s32 $0xFFFFE003, lr  }
0x1b: {  	s9 =	sadd.s32 $0xFFFFFEF7, lr;
	s5 =	simm.s32 $0xFFFFFFFF;
	p2 =	slt.u32 s8, $0xFFFFF086  }
0x1c: {  	p1 =	slt.u32 s9, $0xF7A;
	s5 =	simm.s32 @!p2 $0x0  }
0x1d: {  	s5 =	simm.s32 @p1 $0x1;
	p0 =	seq.s32 s7, s2  }
0x1e: {  	s7 =	smul.u32 @!p0 $0xF7A, s2;
	p2 =	seq.s32 @!p0 s5, $0x0  }
0x1f: {  	s9 =	smul.u32 $0xF7A, s1;
	s8 =	simm.s32 @!p0 $0x1BF5;
	p2 =	por !p2, p0  }
0x20: {  	[sflag:s8] =	ssyncset.s32 @!p0 $0xFFFFF086;
	s6 =	sadd.s32 @!p0 s3, s7;
	s7 =	simm.s32 @!p0 $0x108  }
0x21: {  	s3 =	sadd.s32 s3, s9;
	s6 =	sadd.s32 @!p0 $0x88, s6;
	s7 =	simm.s32 @p2 $0x1082  }
0x22: {  	[simem:s7], [sflag:s8] =	dma.local @!p0 [hbm:s6], $0xF7A  }
0x23: {  	s9 =	sor.u32 $0xD0000000, s2;
	s6 =	simm.s32 $0x108;
	_ =	swait.ge @!p0 [sflag:s8], $0x0  }
0x24: {  	s3 =	sadd.s32 $0x88, s3;
	s6 =	simm.s32 @!p1 $0x1082;
	[sflag:s4] =	ssyncset.s32 $0xFFFFF086  }
0x25: {  	[simem:s6], [sflag:s4] =	dma.local [hbm:s3], $0xF7A  }
0x26: {  	[smem:$0x3F96] =	sst s1;
	(tag) =	ssettag s2;
	_ =	strace s9  }
0x27: {  	s1 =	sld [smem:$0x3FA6]  }
0x28: {  	s2 =	sld [smem:$0x3FA7]  }
0x29: {  	s4 =	sld [smem:$0x3FA9]  }
0x2a: {  	p0 =	seq.s32 s5, $0x0;
	s5 =	sld [smem:$0x3FAA]  }
0x2b: {  	s6 =	sld [smem:$0x3FAB]  }
0x2c: {  	s7 =	sld [smem:$0x3FAC]  }
0x2d: {  	s3 =	simm.s32 $0x108;
	s8 =	sld [smem:$0x3FAD]  }
0x2e: {  	s3 =	simm.s32 @!p0 $0x1082;
	s9 =	sld [smem:$0x3FAE]  }
0x2f: {  	lr =	sadd.s32 s0, s3;
	s0 =	sld [smem:$0x3FA5]  }
0x30: {  	s3 =	sld [smem:$0x3FA8]  }
0x31: {  	[smem:$0x3FB1] =	sst s10  }
0x32: {  	s10 =	sld [smem:$0x3FAF];
	_ =	sdelay $0x3  }
0x33: {  	p0 =	seq.s32 s10, $0x1;
	s10 =	sld [smem:$0x3FB1];
	_ =	sdelay $0x3  }
0x34: {  	[smem:$0x3FB1] =	sst s10  }
0x35: {  	s10 =	sld [smem:$0x3FB0];
	_ =	sdelay $0x3  }
0x36: {  	p1 =	seq.s32 s10, $0x1;
	s10 =	sld [smem:$0x3FB1];
	_ =	sdelay $0x3  }
0x37: {  	[smem:$0x3FB1] =	sst s10  }
0x38: {  	s10 =	sld [smem:$0x3FB2]  }
0x39: {  	_ = 	snop;
	(pc) =	sbr.ind lr, $3  }
0x3a: {  	_ = 	snop  }
0x3b: {  	_ = 	snop  }
0x3c: {  	p2 =	seq.s32 s10, $0x1;
	s10 =	sld [smem:$0x3FB1]  }
0x3d: {  	_ =	shalt  }
0x3e: {  	_ =	shalt  }
0x3f: {  	_ =	shalt  }
0x40: {  	_ =	shalt  }
0x41: {  	_ =	shalt  }
0x42: {  	_ =	shalt  }
0x43: {  	_ =	shalt  }
0x44: {  	_ =	shalt  }
0x45: {  	_ =	shalt  }
0x46: {  	_ =	shalt  }
0x47: {  	_ =	shalt  }
0x48: {  	_ =	shalt  }
0x49: {  	_ =	shalt  }
0x4a: {  	_ =	shalt  }
0x4b: {  	_ =	shalt  }
0x4c: {  	_ =	shalt  }
0x4d: {  	_ =	shalt  }
0x4e: {  	_ =	shalt  }
0x4f: {  	_ =	shalt  }
0x50: {  	_ =	shalt  }
0x51: {  	_ =	shalt  }
0x52: {  	_ =	shalt  }
0x53: {  	_ =	shalt  }
0x54: {  	_ =	shalt  }
0x55: {  	_ =	shalt  }
0x56: {  	_ =	shalt  }
0x57: {  	_ =	shalt  }
0x58: {  	_ =	shalt  }
0x59: {  	_ =	shalt  }
0x5a: {  	_ =	shalt  }
0x5b: {  	_ =	shalt  }
0x5c: {  	_ =	shalt  }
0x5d: {  	_ =	shalt  }
0x5e: {  	_ =	shalt  }
0x5f: {  	_ =	shalt  }
0x60: {  	_ =	shalt  }
0x61: {  	_ =	shalt  }
0x62: {  	_ =	shalt  }
0x63: {  	_ =	shalt  }
0x64: {  	_ =	shalt  }
0x65: {  	_ =	shalt  }
0x66: {  	_ =	shalt  }
0x67: {  	_ =	shalt  }
0x68: {  	_ =	shalt  }
0x69: {  	_ =	shalt  }
0x6a: {  	_ =	shalt  }
0x6b: {  	_ =	shalt  }
0x6c: {  	_ =	shalt  }
0x6d: {  	_ =	shalt  }
0x6e: {  	_ =	shalt  }
0x6f: {  	_ =	shalt  }
0x70: {  	_ =	shalt  }
0x71: {  	_ =	shalt  }
0x72: {  	_ =	shalt  }
0x73: {  	_ =	shalt  }
0x74: {  	_ =	shalt  }
0x75: {  	_ =	shalt  }
0x76: {  	_ =	shalt  }
0x77: {  	_ =	shalt  }
0x78: {  	_ =	shalt  }
0x79: {  	_ =	shalt  }
0x7a: {  	_ =	shalt  }
0x7b: {  	_ =	shalt  }
0x7c: {  	_ =	shalt  }
0x7d: {  	_ =	shalt  }
0x7e: {  	_ =	shalt  }
0x7f: {  	_ =	shalt  }
0x80: {  	_ =	shalt  }
0x81: {  	_ =	shalt  }
0x82: {  	_ =	shalt  }
0x83: {  	_ =	shalt  }
0x84: {  	_ =	shalt  }
0x85: {  	_ =	shalt  }
0x86: {  	_ =	shalt  }
0x87: {  	_ =	shalt  }
.Lfunc_end0:
.L_simem_size_0:
called_computation.3_lowered:
.L_overlay_start_0:
0x88: {  	s2 =	sld [smem:$0x3FD9]  }
0x89: {  	s3 =	sld [smem:$0x3FFE];
	_ =	sdelay $0x1  }
0x8a: {  	s1 =	srdreg.scid  }
0x8b: {  	s0 =	sand.u32 $0x1, s1  }
0x8c: {  	s16 =	sshll.u32 s0, $0xA;
	s2 =	sadd.s32 s3, s2  }
0x8d: {  	s2 =	sadd.s32 s2, s16  }
0x8e: {  	[smem:$0x3FBD] =	sst s2  }
0x8f: {  	_ = 	snop  }
0x90: {  	(tm) =	ssettm $0x1  }
0x91: {  	s17 =	sld [smem:$0x3FFB];
	_ =	sdelay $0x3  }
0x92: {  	_ =	strace s17  }
0x93: {  	s2 =	sld [smem:$0x3FFC];
	_ =	sdelay $0x3  }
0x94: {  	_ =	strace s2  }
0x95: {  	s2 =	sld [smem:$0x3FFD];
	_ =	sdelay $0x3  }
0x96: {  	_ =	strace s2  }
0x97: {  	_ =	strace $0x8FFFFFFF  }
0x98: {  	s18 =	sld [smem:$0x3FDB];
	_ =	sdelay $0x1  }
0x99: {  	s19 =	simm.s32 $_scs_section_size  }
0x9a: {  	s4 =	simm.s32 $_size__tile_overlayer_lowered;
	s5 =	simm.s32 $_tile_overlayer_lowered  }
0x9b: {  	s22 =	simm.s32 $0x1BFF;
	s21 =	sshll.u32 s5, $0x1;
	s2 =	sadd.s32 s19, s18  }
0x9c: {  	s6 =	simm.s32 $0x0;
	s20 =	sshll.u32 s4, $0x1;
	s4 =	sadd.s32 s21, s2  }
0x9d: {  	[timem:s6], [sflag:s22] =	dma.local [hbm:s4], s20  }
0x9e: {  	_ =	swait.ge [sflag:s22], s20  }
0x9f: {  	s3 =	ssub.s32 $0x0, s20;
	[sflag:s22] =	ssyncset.done $0x0  }
0xa0: {  	[sflag:s22] =	ssyncadd.s32 s3;
	_ =	sdelay $0x1  }
0xa1: {  	s23 =	simm.s32 $0x1B8B  }
0xa2: {  	_ =	swait.ge [sflag:s23], $0x1  }
0xa3: {  	[sflag:s23] =	ssyncset.done $0x0  }
0xa4: {  	s25 =	simm.s32 $0x1B8E;
	s24 =	sld [smem:$0x3FFE];
	[sflag:s23] =	ssyncadd.s32 $0xFFFFFFFF  }
0xa5: {  	s26 =	simm.s32 $execute0_lowered;
	[smem:$0x3FD2] =	sst s25  }
0xa6: {  	s4 =	sshll.u32 s26, $0x1;
	_ =	strace $0x8000004F;
	[dreg:$0x1] =	wrdreg $0xFFFFFFFF  }
0xa7: {  	s28 =	simm.s32 $_size_execute0_lowered;
	s2 =	sadd.s32 s2, s4;
	[dreg:$0x0] =	wrdreg $0x0  }
0xa8: {  	s4 =	sshll.u32 s28, $0x1;
	[dreg:$0x2] =	wrdreg s2  }
0xa9: {  	[dreg:$0x3] =	wrdreg s4  }
0xaa: {  	[dreg:$0x4] =	wrdreg $0xC0  }
0xab: {  	_ =	task [dreg:s6], $0x5FFFF  }
0xac: {  	[dreg:$0x1] =	wrdreg $0xFFFFFFFF  }
0xad: {  	[dreg:$0x0] =	wrdreg $0x60  }
0xae: {  	[dreg:$0x2] =	wrdreg s24  }
0xaf: {  	[dreg:$0x3] =	wrdreg $0x61000  }
0xb0: {  	[dreg:$0x4] =	wrdreg $0x9  }
0xb1: {  	_ =	task.clear_ibuf [dreg:s6], $0x5FFFF;
	_ =	strace $0x9000004F  }
0xb2: {  	s29 =	simm.s32 $0x9;
	_ =	strace $0x80000051  }
0xb3: {  	_ =	swait.ge [sflag:s29], $0x1  }
0xb4: {  	[sflag:s29] =	ssyncadd.s32 $0xFFFFFFFF  }
0xb5: {  	_ =	strace $0x90000051  }
0xb6: {  	_ =	sfence  }
0xb7: {  	s30 =	sld [smem:$0x0];
	_ =	sdelay $0x2  }
0xb8: {  	s31 =	sshll.u32 s1, $0xD;
	s1 =	sshrl.u32 s1, $0x2  }
0xb9: {  	s3 =	sand.u32 $0x4000, s31;
	s1 =	sadd.s32 s1, s30  }
0xba: {  	s0 =	sor.u32 s3, s0;
	s1 =	sshll.u32 s1, $0x11  }
0xbb: {  	s0 =	sor.u32 s1, s0  }
0xbc: {  	s0 =	sadd.s32 $0x8F2B, s0  }
0xbd: {  	[sflag:s0] =	ssyncadd.remote.s32 $0x1  }
0xbe: {  	_ =	sfence.sel $0xFFFF  }
0xbf: {  	[dreg:$0x0] =	wrdreg $0xFFFFFFFF;
	(pc) =	sbr.abs _section_cstart, $3  }
0xc0: {  	[dreg:$0x1] =	wrdreg $0xFFFFFFFF  }
0xc1: {  	_ =	task.clear_ibuf [dreg:s6], $0x2FFFF;
	_ =	strace $0x9FFFFFFF  }
0xc2: {  	(tm) =	ssettm $0x7FFFFFFF  }
0xc3: {  	_ =	shalt  }
tec
execute0_lowered:
.L_overlay_start_1:
0x0: {  	(tag) =	ssettag $0x1  }
0x1: {  	s14 =	stileid.u32;
	s0 =	srdreg.scid  }
0x2: {  	s3 =	rddreg [dreg:$0x0];
	s2 =	smul.u32 $0x1400, s14  }
0x3: {  	s1 =	simm.s32 $0x0;
	s0 =	sand.u32 $0x1, s0;
	s6 =	smul.u32 $0x14000, s14  }
0x4: {  	[smem:$0x7FF] =	sst s1;
	s7 =	sadd.s32 $0x8E400, s3;
	s26 =	smul.u32 $0x50000, s14  }
0x5: {  	s14 =	sadd.s32 $0x67200, s3;
	s4 =	smul.u32 $0x140000, s0;
	s5 =	ssub.s32 $0x2, s0  }
0x6: {  	s0 =	smul.u32 $0xA00, s0;
	s2 =	sadd.s32 s2, s3;
	s8 =	sshrl.u32 s5, $0x1  }
0x7: {  	s9 =	sor.u32 $0x2000, s6;
	s11 =	sadd.s32 $0x4000, s6;
	s5 =	ssub.s32 s5, s8  }
0x8: {  	s12 =	sadd.s32 s4, s6;
	s10 =	sadd.s32 s4, s9;
	s15 =	sadd.s32 s4, s11  }
0x9: {  	s0 =	sadd.s32 s0, s2;
	s8 =	sshrl.u32 s12, $0x3;
	s13 =	sshrl.u32 s10, $0x3  }
0xa: {  	s16 =	sshrl.u32 s15, $0x3;
	s10 =	sadd.s32 $0x6000, s6;
	s8 =	sadd.s32 s7, s8  }
0xb: {  	s17 =	sadd.s32 s4, s10;
	[dreg:$0x3] =	wrdreg s8;
	s8 =	sadd.s32 s7, s13  }
0xc: {  	s13 =	sadd.s32 $0x8000, s6;
	[dreg:$0x4] =	wrdreg s8;
	s8 =	sadd.s32 s7, s16  }
0xd: {  	s12 =	sadd.s32 s4, s13;
	s16 =	sadd.s32 $0xA000, s6;
	[dreg:$0x5] =	wrdreg s8  }
0xe: {  	s8 =	sshrl.u32 s17, $0x3;
	s18 =	sshrl.u32 s12, $0x3;
	s19 =	sadd.s32 s4, s16  }
0xf: {  	s17 =	sadd.s32 $0xC000, s6;
	s12 =	rddreg [dreg:$0x1];
	s8 =	sadd.s32 s7, s8  }
0x10: {  	s20 =	sshrl.u32 s19, $0x3;
	s21 =	sadd.s32 s4, s17;
	s19 =	sadd.s32 $0x10000, s6  }
0x11: {  	s10 =	sadd.s32 s10, s12;
	[dreg:$0x6] =	wrdreg s8;
	s8 =	sadd.s32 s7, s18  }
0x12: {  	s18 =	sadd.s32 $0xE000, s6;
	s24 =	sadd.s32 s4, s19;
	s6 =	sadd.s32 $0x12000, s6  }
0x13: {  	s19 =	sadd.s32 s19, s12;
	[dreg:$0x7] =	wrdreg s8;
	s8 =	sadd.s32 s7, s20  }
0x14: {  	s22 =	sadd.s32 s4, s18;
	s25 =	sshrl.u32 s24, $0x3;
	s4 =	sadd.s32 s4, s6  }
0x15: {  	s18 =	sadd.s32 s18, s12;
	s6 =	sadd.s32 s6, s12;
	s20 =	sshrl.u32 s10, $0x3  }
0x16: {  	s10 =	simm.s32 $0x0;
	[dreg:$0x8] =	wrdreg s8;
	s8 =	sshrl.u32 s21, $0x3  }
0x17: {  	s23 =	sshrl.u32 s22, $0x3;
	s4 =	sshrl.u32 s4, $0x3;
	s8 =	sadd.s32 s7, s8  }
0x18: {  	s24 =	sshrl.u32 s18, $0x3;
	s4 =	sadd.s32 s7, s4;
	[dreg:$0x9] =	wrdreg s8  }
0x19: {  	s8 =	sadd.s32 s7, s23;
	[dreg:$0xc] =	wrdreg s4;
	s4 =	sshrl.u32 s26, $0x2  }
0x1a: {  	[dreg:$0xa] =	wrdreg s8;
	s8 =	sadd.s32 s7, s25;
	s15 =	sadd.s32 s4, s12  }
0x1b: {  	s7 =	smax.u32 s5, $0x1;
	s5 =	simm.s32 $0x4100;
	[dreg:$0xb] =	wrdreg s8  }
0x1c: {  	s8 =	sadd.s32 s9, s12;
	s9 =	sadd.s32 s11, s12;
	s11 =	sadd.s32 s13, s12  }
0x1d: {  	s13 =	sadd.s32 s16, s12;
	s16 =	sadd.s32 s17, s12;
	s17 =	sadd.s32 $0x3200, s0  }
0x1e: {  	s28 =	sadd.s32 $0x2000, s15;
	s29 =	sadd.s32 $0x4000, s15;
	s30 =	sadd.s32 $0x6000, s15  }
0x1f: {  	s31 =	sadd.s32 $0x8000, s15;
	s0 =	sadd.s32 $0xC000, s15;
	s2 =	sadd.s32 $0xE000, s15  }
0x20: {  	s3 =	sadd.s32 $0x10000, s15;
	s4 =	sadd.s32 $0x12000, s15;
	_ =	strace $0x80000050  }
0x21: {  	[dreg:$0xd] =	wrdreg s7;
	s25 =	sshrl.u32 s8, $0x3;
	s26 =	sshrl.u32 s9, $0x3  }
0x22: {  	s21 =	sshrl.u32 s11, $0x3;
	s22 =	sshrl.u32 s13, $0x3;
	s23 =	sshrl.u32 s16, $0x3  }
0x23: {  	s11 =	sadd.s32 $0xA000, s15;
	s7 =	simm.s32 $0x80;
	[dreg:$0xe] =	wrdreg s25  }
0x24: {  	s8 =	simm.s32 $0x100;
	s9 =	simm.s32 $0x1;
	[dreg:$0xf] =	wrdreg s26  }
0x25: {  	v0 =	vimm.f32 $0.0e+00;
	s25 =	sshrl.u32 s19, $0x3;
	s26 =	sshrl.u32 s6, $0x3;
	s6 =	simm.s32 $0x2  }
.LBB2_1:
0x26: {  	s13 =	simm.s32 $0x0;
	s16 =	simm.s32 $0x200  }
.LBB2_2:
0x27: {  	p0 =	sne.s32 s16, $0x7E00;
	[tilespmem:s13+$0x4170] =	vst v0  }
0x28: {  	[tilespmem:s13+$0x4100] =	vst v0  }
0x29: {  	[tilespmem:s13+$0x4110] =	vst v0  }
.Ltmp0:
0x2a: {  	[tilespmem:s13+$0x4120] =	vst v0;
	(pc) =	sbr.rel @p0 .LBB2_2-.Ltmp0, $4  }
0x2b: {  	[tilespmem:s13+$0x4130] =	vst v0  }
0x2c: {  	[tilespmem:s13+$0x4140] =	vst v0  }
0x2d: {  	[tilespmem:s13+$0x4150] =	vst v0  }
0x2e: {  	[tilespmem:s13+$0x4160] =	vst v0;
	s13 =	sshra.s32 s16, $0x2;
	s16 =	sadd.s32 $0x200, s16  }
0x2f: {  	[tilespmem:s13+$0x4170] =	vst v0  }
0x30: {  	[tilespmem:s13+$0x4100] =	vst v0  }
0x31: {  	[tilespmem:s13+$0x4110] =	vst v0  }
0x32: {  	[tilespmem:s13+$0x4120] =	vst v0  }
0x33: {  	[tilespmem:s13+$0x4130] =	vst v0  }
0x34: {  	[tilespmem:s13+$0x4140] =	vst v0  }
0x35: {  	[tilespmem:s13+$0x4150] =	vst v0  }
0x36: {  	[tilespmem:s13+$0x4160] =	vst v0  }
0x37: {  	[spmem:s15] =	stream.linear.scatter [tilespmem:s5], [sflag:$0x2], $0x2000, $0x38;
	[tilespmem:$0x1A100] =	vst v63  }
0x38: {  	_ =	swait.ge [sflag:s6], $0x2000  }
0x39: {  	[sflag:s6] =	ssyncset.done $0x0  }
0x3a: {  	[sflag:s6] =	ssyncadd.s32 $0xFFFFE000  }
0x3b: {  	[spmem:s28] =	stream.linear.scatter [tilespmem:s5], [sflag:$0x2], $0x2000, $0x38;
	[tilespmem:$0x1A100] =	vst v63  }
0x3c: {  	_ =	swait.ge [sflag:s6], $0x2000  }
0x3d: {  	[sflag:s6] =	ssyncset.done $0x0  }
0x3e: {  	[sflag:s6] =	ssyncadd.s32 $0xFFFFE000  }
0x3f: {  	[spmem:s29] =	stream.linear.scatter [tilespmem:s5], [sflag:$0x2], $0x2000, $0x38;
	[tilespmem:$0x1A100] =	vst v63  }
0x40: {  	_ =	swait.ge [sflag:s6], $0x2000  }
0x41: {  	[sflag:s6] =	ssyncset.done $0x0  }
0x42: {  	[sflag:s6] =	ssyncadd.s32 $0xFFFFE000  }
0x43: {  	[spmem:s30] =	stream.linear.scatter [tilespmem:s5], [sflag:$0x2], $0x2000, $0x38;
	[tilespmem:$0x1A100] =	vst v63  }
0x44: {  	_ =	swait.ge [sflag:s6], $0x2000  }
0x45: {  	[sflag:s6] =	ssyncset.done $0x0  }
0x46: {  	[sflag:s6] =	ssyncadd.s32 $0xFFFFE000  }
0x47: {  	[spmem:s31] =	stream.linear.scatter [tilespmem:s5], [sflag:$0x2], $0x2000, $0x38;
	[tilespmem:$0x1A100] =	vst v63  }
0x48: {  	_ =	swait.ge [sflag:s6], $0x2000  }
0x49: {  	[sflag:s6] =	ssyncset.done $0x0  }
0x4a: {  	[sflag:s6] =	ssyncadd.s32 $0xFFFFE000  }
0x4b: {  	[spmem:s11] =	stream.linear.scatter [tilespmem:s5], [sflag:$0x2], $0x2000, $0x38;
	[tilespmem:$0x1A100] =	vst v63  }
0x4c: {  	_ =	swait.ge [sflag:s6], $0x2000  }
0x4d: {  	[sflag:s6] =	ssyncset.done $0x0  }
0x4e: {  	[sflag:s6] =	ssyncadd.s32 $0xFFFFE000  }
0x4f: {  	[spmem:s0] =	stream.linear.scatter [tilespmem:s5], [sflag:$0x2], $0x2000, $0x38;
	[tilespmem:$0x1A100] =	vst v63  }
0x50: {  	_ =	swait.ge [sflag:s6], $0x2000  }
0x51: {  	[sflag:s6] =	ssyncset.done $0x0  }
0x52: {  	[sflag:s6] =	ssyncadd.s32 $0xFFFFE000  }
0x53: {  	[spmem:s2] =	stream.linear.scatter [tilespmem:s5], [sflag:$0x2], $0x2000, $0x38;
	[tilespmem:$0x1A100] =	vst v63  }
0x54: {  	_ =	swait.ge [sflag:s6], $0x2000  }
0x55: {  	[sflag:s6] =	ssyncset.done $0x0  }
0x56: {  	[sflag:s6] =	ssyncadd.s32 $0xFFFFE000  }
0x57: {  	[spmem:s3] =	stream.linear.scatter [tilespmem:s5], [sflag:$0x2], $0x2000, $0x38;
	[tilespmem:$0x1A100] =	vst v63  }
0x58: {  	_ =	swait.ge [sflag:s6], $0x2000  }
0x59: {  	[sflag:s6] =	ssyncset.done $0x0  }
0x5a: {  	[sflag:s6] =	ssyncadd.s32 $0xFFFFE000  }
0x5b: {  	[spmem:s4] =	stream.linear.scatter [tilespmem:s5], [sflag:$0x2], $0x2000, $0x38;
	[tilespmem:$0x1A100] =	vst v63  }
0x5c: {  	_ =	swait.ge [sflag:s6], $0x2000  }
0x5d: {  	[sflag:s6] =	ssyncset.done $0x0  }
0x5e: {  	[sflag:s6] =	ssyncadd.s32 $0xFFFFE000  }
0x5f: {  	s19 =	sadd.s32 $0x0, s17;
	[bflag:$0x0] =	sbarrier.arrive $0xFFFF  }
0x60: {  	[tilespmem:s1], [sflag:$0x2] =	stream.linear.gather [hbm4b:s19+s1], $0x100, $0x38;
	[tilespmem:$0x1A100] =	vst v63  }
0x61: {  	_ =	swait.ge [sflag:s6], $0x100  }
0x62: {  	[sflag:s6] =	ssyncset.done $0x0  }
0x63: {  	[sflag:s6] =	ssyncadd.s32 $0xFFFFFF00  }
0x64: {  	[tilespmem:s8], [sflag:$0x1] =	stream.indirect.gather [hbm4b:s14+s7], $0x80, s1, s7, $0xb8;
	[tilespmem:$0x1A100] =	vst v63  }
0x65: {  	_ =	swait.ge [sflag:s9], $0x4000  }
0x66: {  	[sflag:s9] =	ssyncset.done $0x0  }
0x67: {  	[sflag:s9] =	ssyncadd.s32 $0xFFFFC000  }
0x68: {  	[spmem:s12] =	stream.indirect.scatter.add.f32 [tilespmem:s8], [sflag:$0x2], $0x80, s7, s7, $0xb8;
	[tilespmem:$0x1A100] =	vst v63  }
0x69: {  	_ =	swait.ge [sflag:s6], $0x4000  }
0x6a: {  	s13 =	simm.s32 $0x20;
	s16 =	simm.s32 $0x40;
	[sflag:s6] =	ssyncset.done $0x0  }
.LBB2_4:
0x6b: {  	s18 =	sadd.s32 s13, s17  }
0x6c: {  	[sflag:s6] =	ssyncadd.s32 $0xFFFFC000;
	s13 =	smov.u32 s16;
	s19 =	sadd.s32 $0x20, s16  }
0x6d: {  	[tilespmem:s1], [sflag:$0x2] =	stream.linear.gather [hbm4b:s18+s1], $0x100, $0x38;
	[tilespmem:$0x1A100] =	vst v63  }
0x6e: {  	p0 =	sne.s32 s16, $0x9E0;
	_ =	swait.ge [sflag:s6], $0x100  }
0x6f: {  	[sflag:s6] =	ssyncset.done $0x0  }
0x70: {  	[sflag:s6] =	ssyncadd.s32 $0xFFFFFF00  }
0x71: {  	[tilespmem:s8], [sflag:$0x1] =	stream.indirect.gather [hbm4b:s14+s7], $0x80, s1, s7, $0xb8;
	[tilespmem:$0x1A100] =	vst v63  }
0x72: {  	_ =	swait.ge [sflag:s9], $0x4000  }
.Ltmp1:
0x73: {  	[sflag:s9] =	ssyncset.done $0x0;
	(pc) =	sbr.rel @p0 .LBB2_4-.Ltmp1, $4  }
0x74: {  	[sflag:s9] =	ssyncadd.s32 $0xFFFFC000  }
0x75: {  	[spmem:s12] =	stream.indirect.scatter.add.f32 [tilespmem:s8], [sflag:$0x2], $0x80, s7, s7, $0xb8;
	[tilespmem:$0x1A100] =	vst v63  }
0x76: {  	_ =	swait.ge [sflag:s6], $0x4000  }
0x77: {  	s16 =	smov.u32 s19;
	[sflag:s6] =	ssyncset.done $0x0  }
0x78: {  	s13 =	sadd.s32 s13, s17;
	[sflag:s6] =	ssyncadd.s32 $0xFFFFC000  }
0x79: {  	[tilespmem:s1], [sflag:$0x2] =	stream.linear.gather [hbm4b:s13+s1], $0x100, $0x38;
	[tilespmem:$0x1A100] =	vst v63  }
0x7a: {  	_ =	swait.ge [sflag:s6], $0x100  }
0x7b: {  	[sflag:s6] =	ssyncset.done $0x0  }
0x7c: {  	[sflag:s6] =	ssyncadd.s32 $0xFFFFFF00  }
0x7d: {  	[tilespmem:s8], [sflag:$0x1] =	stream.indirect.gather [hbm4b:s14+s7], $0x80, s1, s7, $0xb8;
	[tilespmem:$0x1A100] =	vst v63  }
0x7e: {  	_ =	swait.ge [sflag:s9], $0x4000  }
0x7f: {  	[sflag:s9] =	ssyncset.done $0x0  }
0x80: {  	[sflag:s9] =	ssyncadd.s32 $0xFFFFC000  }
0x81: {  	[spmem:s12] =	stream.indirect.scatter.add.f32 [tilespmem:s8], [sflag:$0x2], $0x80, s7, s7, $0xb8;
	[tilespmem:$0x1A100] =	vst v63  }
0x82: {  	_ =	swait.ge [sflag:s6], $0x4000  }
0x83: {  	[sflag:s6] =	ssyncset.done $0x0  }
0x84: {  	s16 =	stileid.u32;
	[sflag:s6] =	ssyncadd.s32 $0xFFFFC000  }
0x85: {  	s13 =	sshll.u32 s16, $0x6;
	[bflag:$0x0] =	sbarrier.arrive $0xFFFF  }
0x86: {  	s16 =	sshrl.u32 s15, $0x3;
	s13 =	sor.u32 $0x1C02, s13;
	s18 =	rddreg [dreg:$0x3]  }
0x87: {  	[hbm:s18], [sflag:s13] =	dma.local [spmem:s16], $0x400  }
0x88: {  	_ =	swait.ge [sflag:s6], $0x400  }
0x89: {  	[sflag:s6] =	ssyncset.done $0x0;
	s18 =	rddreg [dreg:$0x4]  }
0x8a: {  	s19 =	rddreg [dreg:$0xe];
	[sflag:s6] =	ssyncadd.s32 $0xFFFFFC00  }
0x8b: {  	[hbm:s18], [sflag:s13] =	dma.local [spmem:s19], $0x400  }
0x8c: {  	_ =	swait.ge [sflag:s6], $0x400  }
0x8d: {  	[sflag:s6] =	ssyncset.done $0x0;
	s18 =	rddreg [dreg:$0x5]  }
0x8e: {  	s19 =	rddreg [dreg:$0xf];
	[sflag:s6] =	ssyncadd.s32 $0xFFFFFC00  }
0x8f: {  	[hbm:s18], [sflag:s13] =	dma.local [spmem:s19], $0x400  }
0x90: {  	_ =	swait.ge [sflag:s6], $0x400  }
0x91: {  	[sflag:s6] =	ssyncset.done $0x0  }
0x92: {  	s18 =	rddreg [dreg:$0x6];
	[sflag:s6] =	ssyncadd.s32 $0xFFFFFC00  }
0x93: {  	[hbm:s18], [sflag:s13] =	dma.local [spmem:s20], $0x400  }
0x94: {  	_ =	swait.ge [sflag:s6], $0x400  }
0x95: {  	[sflag:s6] =	ssyncset.done $0x0  }
0x96: {  	s19 =	rddreg [dreg:$0x7];
	[sflag:s6] =	ssyncadd.s32 $0xFFFFFC00  }
0x97: {  	[hbm:s19], [sflag:s13] =	dma.local [spmem:s21], $0x400  }
0x98: {  	_ =	swait.ge [sflag:s6], $0x400  }
0x99: {  	[sflag:s6] =	ssyncset.done $0x0  }
0x9a: {  	s18 =	rddreg [dreg:$0x8];
	[sflag:s6] =	ssyncadd.s32 $0xFFFFFC00  }
0x9b: {  	[hbm:s18], [sflag:s13] =	dma.local [spmem:s22], $0x400  }
0x9c: {  	_ =	swait.ge [sflag:s6], $0x400  }
0x9d: {  	[sflag:s6] =	ssyncset.done $0x0  }
0x9e: {  	s19 =	rddreg [dreg:$0x9];
	[sflag:s6] =	ssyncadd.s32 $0xFFFFFC00  }
0x9f: {  	[hbm:s19], [sflag:s13] =	dma.local [spmem:s23], $0x400  }
0xa0: {  	_ =	swait.ge [sflag:s6], $0x400  }
0xa1: {  	[sflag:s6] =	ssyncset.done $0x0  }
0xa2: {  	s18 =	rddreg [dreg:$0xa];
	[sflag:s6] =	ssyncadd.s32 $0xFFFFFC00  }
0xa3: {  	[hbm:s18], [sflag:s13] =	dma.local [spmem:s24], $0x400  }
0xa4: {  	_ =	swait.ge [sflag:s6], $0x400  }
0xa5: {  	[sflag:s6] =	ssyncset.done $0x0  }
0xa6: {  	s19 =	rddreg [dreg:$0xb];
	[sflag:s6] =	ssyncadd.s32 $0xFFFFFC00  }
0xa7: {  	[hbm:s19], [sflag:s13] =	dma.local [spmem:s25], $0x400  }
0xa8: {  	_ =	swait.ge [sflag:s6], $0x400  }
0xa9: {  	[sflag:s6] =	ssyncset.done $0x0  }
0xaa: {  	s18 =	rddreg [dreg:$0xc];
	[sflag:s6] =	ssyncadd.s32 $0xFFFFFC00  }
0xab: {  	[hbm:s18], [sflag:s13] =	dma.local [spmem:s26], $0x400  }
0xac: {  	_ =	swait.ge [sflag:s6], $0x400  }
0xad: {  	s10 =	sadd.s32 $0x1, s10;
	s19 =	rddreg [dreg:$0xd]  }
0xae: {  	p0 =	sne.s32 s10, s19  }
.Ltmp2:
0xaf: {  	_ = 	snop;
	(pc) =	sbr.rel @p0 .LBB2_1-.Ltmp2, $3  }
0xb0: {  	_ =	sdelay $0x1  }
0xb1: {  	[sflag:s6] =	ssyncset.done $0x0  }
0xb2: {  	[sflag:s6] =	ssyncadd.s32 $0xFFFFFC00  }
0xb3: {  	_ =	sfence.sel $0x180000  }
0xb4: {  	[bflag:$0x0] =	sbarrier.arrive $0xFFFF  }
0xb5: {  	_ =	strace $0x90000050  }
0xb6: {  	s0 =	stileid.u32;
	[bflag:$0x2] =	sbarrier.arrive $0xFFFF  }
0xb7: {  	p0 =	sne.s32 s0, $0x0;
	s0 =	rddreg [dreg:$0x2]  }
0xb8: {  	s0 =	sadd.s32 @!p0 $0x100000, s0  }
0xb9: {  	[sflag:s0] =	ssyncadd.tile.s32 @!p0 $0x1;
	_ =	shalt  }
.Lfunc_end2:
_tile_overlayer_lowered:
.L_overlay_start_2:
0xba: {  	(tag) =	ssettag $0x2  }
0xbb: {  	s0 =	rddreg [dreg:$0x0];
	s2 =	stileid.u32  }
0xbc: {  	s1 =	rddreg [dreg:$0x1];
	p0 =	sne.s32 s2, $0x0  }
0xbd: {  	s3 =	rddreg [dreg:$0x2];
	[bflag:$0x3] =	sbarrier.arrive $0xFFFF;
	s2 =	simm.s32 @!p0 $0x1C02  }
0xbe: {  	[timem:s3], [sflag:s2] =	dma.local @!p0 [hbm:s0], s1  }
0xbf: {  	s0 =	simm.s32 @!p0 $0x2  }
0xc0: {  	_ =	swait.ge @!p0 [sflag:s0], s1  }
0xc1: {  	s1 =	ssub.s32 @!p0 $0x0, s1;
	[sflag:s0] =	ssyncset.done @!p0 $0x0  }
0xc2: {  	[sflag:s0] =	ssyncadd.s32 @!p0 s1  }
0xc3: {  	[bflag:$0x3] =	sbarrier.arrive $0xFFFF  }
0xc4: {  	_ =	shalt  }

</sc_bundles>
